<compile_context>
chip_gen: v7x
topology: tpu7x:2x2x1
jax: 0.10.2.dev20260603
libtpu: 0.0.44.dev20260713+nightly
codegen_flags: <defaults>
</compile_context>

<pallas_src>
import jax
import jax.numpy as jnp
from jax import lax
from jax.experimental import pallas as pl
from jax.experimental.pallas import tpu as pltpu
from jax.experimental.pallas import tpu_sc as plsc

_B, _C, _H, _W = 8, 96, 112, 112
_STRIDE, _KS = 2, 2
_HOUT = (_H - 1) * _STRIDE + _KS
_WOUT = (_W - 1) * _STRIDE + _KS
_NPLANES = _B * _C
_IN_PLANE = _H * _W
_OUT_PLANE = _HOUT * _WOUT
_NWORKERS = 32
_PPW = _NPLANES // _NWORKERS
_LANES = 16


def _unpool_body(ks_hbm, vs_hbm, out_hbm, key_v, val_v, plane0_v, plane1_v,
                 in_sem, out_sem0, out_sem1):
    cid = lax.axis_index("c")
    sid = lax.axis_index("s")
    wid = sid * 2 + cid

    zero = jnp.zeros((_LANES,), jnp.float32)
    sentinel = jnp.full((_LANES,), -1, jnp.int32)
    planes = (plane0_v, plane1_v)
    out_sems = (out_sem0, out_sem1)

    def do_plane(p, plane_v, out_sem, first, last):
        kcopy = pltpu.async_copy(
            ks_hbm.at[pl.ds(p * _IN_PLANE, _IN_PLANE)],
            key_v.at[pl.ds(0, _IN_PLANE)], in_sem)
        vcopy = pltpu.async_copy(
            vs_hbm.at[pl.ds(p * _IN_PLANE, _IN_PLANE)], val_v, in_sem)

        @pl.when(jnp.logical_not(first))
        def _():
            prev_base = (p - 2) * _OUT_PLANE
            pltpu.make_async_copy(
                plane_v, out_hbm.at[pl.ds(prev_base, _OUT_PLANE)],
                out_sem).wait()

        def zero_step(i, c):
            plane_v[pl.ds(pl.multiple_of(i * _LANES, _LANES), _LANES)] = zero
            return c

        lax.fori_loop(0, _OUT_PLANE // _LANES, zero_step, 0, unroll=16)

        kcopy.wait()
        vcopy.wait()
        key_v[pl.ds(_IN_PLANE, _LANES)] = sentinel

        base = p * _OUT_PLANE

        def scatter_step(i, c):
            off = pl.ds(pl.multiple_of(i * _LANES, _LANES), _LANES)
            kv = key_v[off]
            nxt = key_v[pl.ds(i * _LANES + 1, _LANES)]
            vv = val_v[off]
            keep = kv != nxt
            liv = kv - base
            plsc.store_scatter(plane_v, [liv], vv, mask=keep)
            return c

        lax.fori_loop(0, _IN_PLANE // _LANES, scatter_step, 0, unroll=8)

        ocopy = pltpu.async_copy(
            plane_v, out_hbm.at[pl.ds(base, _OUT_PLANE)], out_sem)

        @pl.when(last)
        def _():
            ocopy.wait()

    def pair_step(jj, carry):
        for b in range(2):
            j = jj * 2 + b
            p = wid * _PPW + j
            do_plane(p, planes[b], out_sems[b],
                     first=(j <= 1), last=(j >= _PPW - 2))
        return carry

    lax.fori_loop(0, _PPW // 2, pair_step, 0)


def kernel(x, x1):
    rows = jnp.arange(_NPLANES, dtype=jnp.int32) * _OUT_PLANE
    keys = (x1.reshape(_NPLANES, _IN_PLANE) + rows[:, None]).reshape(-1)
    vals = x.reshape(-1)
    ks, vs = lax.sort((keys, vals), dimension=0, is_stable=False, num_keys=1)

    mesh = plsc.VectorSubcoreMesh(core_axis_name="c", subcore_axis_name="s")
    f = pl.kernel(
        _unpool_body,
        mesh=mesh,
        out_type=jax.ShapeDtypeStruct((_NPLANES * _OUT_PLANE,), jnp.float32),
        compiler_params=pltpu.CompilerParams(needs_layout_passes=False),
        scratch_types=[
            pltpu.VMEM((_IN_PLANE + _LANES,), jnp.int32),
            pltpu.VMEM((_IN_PLANE,), jnp.float32),
            pltpu.VMEM((_OUT_PLANE,), jnp.float32),
            pltpu.VMEM((_OUT_PLANE,), jnp.float32),
            pltpu.SemaphoreType.DMA,
            pltpu.SemaphoreType.DMA,
            pltpu.SemaphoreType.DMA,
        ],
    )
    out = f(ks, vs)
    return out.reshape(_B, _C, _HOUT, _WOUT)

# --- scband reference (transcript-rebuilt; emitter-appended) ---
"""Pipeline reference for scband-max-un-pool-index-66151086293433 (READ-ONLY COPY).

The authoritative reference and input builder live on the scoring server;
editing this copy changes nothing except your own understanding.
"""

import jax, jax.numpy as jnp
import numpy as np

KERNEL_SIZE = 2
STRIDE = 2
B, C, H, W = 8, 96, 112, 112
HOUT = (H - 1) * STRIDE + KERNEL_SIZE
WOUT = (W - 1) * STRIDE + KERNEL_SIZE


def setup_inputs(seed: int = 0) -> dict:
    key = jax.random.key(seed)
    k1, k2 = jax.random.split(key)
    x = jax.random.normal(k1, (B, C, H, W), dtype=jnp.float32)
    # indices into the flattened (HOUT*WOUT) output plane, per (b, c) plane,
    # exactly like torch max_unpool2d index semantics
    x1 = jax.random.randint(k2, (B, C, H, W), 0, HOUT * WOUT, dtype=jnp.int32)
    return {"x": x, "x1": x1}


def reference(x, x1):
    b, c, h, w = x.shape
    hout = (h - 1) * STRIDE + KERNEL_SIZE
    wout = (w - 1) * STRIDE + KERNEL_SIZE
    # scatter-overwrite pooled values into zero-initialized output planes
    flat = jnp.zeros((b * c, hout * wout), dtype=x.dtype)
    rows = jnp.arange(b * c)[:, None]
    idx = x1.reshape(b * c, h * w)
    vals = x.reshape(b * c, h * w)
    flat = flat.at[rows, idx].set(vals)
    return flat.reshape(b, c, hout, wout)

if __name__ == "__main__":
    import jax
    _d = setup_inputs()
    print(jax.jit(kernel)(*tuple(_d.values())))

</pallas_src>

<mosaic_0001>
#map = affine_map<(d0, d1) -> (0)>
module attributes {stable_mosaic.version = 14 : i64} {
  func.func @_unpool_body(%arg0: i32, %arg1: i32, %arg2: memref<9633792xi32, #tpu.memory_space<hbm>>, %arg3: memref<9633792xf32, #tpu.memory_space<hbm>>, %arg4: memref<38535168xf32, #tpu.memory_space<hbm>>, %arg5: memref<12560xi32, #tpu.memory_space<vmem>>, %arg6: memref<12544xf32, #tpu.memory_space<vmem>>, %arg7: memref<50176xf32, #tpu.memory_space<vmem>>, %arg8: memref<50176xf32, #tpu.memory_space<vmem>>, %arg9: memref<!tpu.dma_semaphore, #tpu.memory_space<semaphore_mem>>, %arg10: memref<!tpu.dma_semaphore, #tpu.memory_space<semaphore_mem>>, %arg11: memref<!tpu.dma_semaphore, #tpu.memory_space<semaphore_mem>>) attributes {dimension_semantics = [#tpu.dimension_semantics<core_parallel>, #tpu.dimension_semantics<subcore_parallel>], iteration_bounds = array<i64: 2, 16>, scalar_prefetch = 0 : i64, scratch_operands = 7 : i64, tpu.core_type = #tpu.core_type<sc_vector_subcore>, window_params = [{transform_indices = #map}, {transform_indices = #map}, {transform_indices = #map}]} {
    %mul3A = arith.constant 2 : i32
    %mul3A_0 = arith.muli %arg1, %mul3A : i32
    %add3A = arith.addi %mul3A_0, %arg0 : i32
    %broadcast_in_dim3A = arith.constant 0.000000e+00 : f32
    %broadcast_in_dim3A_1 = vector.broadcast %broadcast_in_dim3A : f32 to vector<16xf32>
    %broadcast_in_dim3A_2 = arith.constant -1 : i32
    %broadcast_in_dim3A_3 = vector.broadcast %broadcast_in_dim3A_2 : i32 to vector<16xi32>
    %scan3A = arith.constant 0 : i32
    %scan3A_4 = arith.constant 0 : i32
    %scan3A_5 = arith.constant 12 : i32
    %scan3A_6 = arith.addi %scan3A_4, %scan3A_5 : i32
    %scan3A_7 = arith.constant 1 : i32
    scf.for %scan3A_9 = %scan3A_4 to %scan3A_6 step %scan3A_7  : i32 {
      %mul3A_10 = arith.constant 2 : i32
      %mul3A_11 = arith.muli %scan3A_9, %mul3A_10 : i32
      %add3A_12 = arith.constant 0 : i32
      %add3A_13 = arith.addi %mul3A_11, %add3A_12 : i32
      %mul3A_14 = arith.constant 24 : i32
      %mul3A_15 = arith.muli %add3A, %mul3A_14 : i32
      %add3A_16 = arith.addi %mul3A_15, %add3A_13 : i32
      %le3A = arith.constant 1 : i32
      %le3A_17 = arith.cmpi sle, %add3A_13, %le3A : i32
      %ge3A = arith.constant 22 : i32
      %ge3A_18 = arith.cmpi sge, %add3A_13, %ge3A : i32
      %mul3A_19 = arith.constant 12544 : i32
      %mul3A_20 = arith.muli %add3A_16, %mul3A_19 : i32
      %dma_start3A = arith.constant 0 : i32
      %dma_start3A_21 = tpu.memref_slice %arg5[%dma_start3A] : memref<12560xi32, #tpu.memory_space<vmem>> -> memref<12544xi32, #tpu.memory_space<vmem>>
      %dma_start3A_22 = tpu.memref_slice %arg2[%mul3A_20] : memref<9633792xi32, #tpu.memory_space<hbm>> -> memref<12544xi32, #tpu.memory_space<hbm>>
      %dma_start3A_23 = arith.constant 0 : i32
      %dma_start3A_24 = tpu.memref_slice %arg5[%dma_start3A_23] : memref<12560xi32, #tpu.memory_space<vmem>> -> memref<12544xi32, #tpu.memory_space<vmem>>
      %dma_start3A_25 = tpu.memref_slice %arg2[%mul3A_20] : memref<9633792xi32, #tpu.memory_space<hbm>> -> memref<12544xi32, #tpu.memory_space<hbm>>
      tpu.enqueue_dma source(%dma_start3A_25 : memref<12544xi32, #tpu.memory_space<hbm>>) target(%dma_start3A_24 : memref<12544xi32, #tpu.memory_space<vmem>>) target_semaphore(%arg9 : memref<!tpu.dma_semaphore, #tpu.memory_space<semaphore_mem>>)
      %mul3A_26 = arith.constant 12544 : i32
      %mul3A_27 = arith.muli %add3A_16, %mul3A_26 : i32
      %dma_start3A_28 = tpu.memref_slice %arg3[%mul3A_27] : memref<9633792xf32, #tpu.memory_space<hbm>> -> memref<12544xf32, #tpu.memory_space<hbm>>
      %dma_start3A_29 = tpu.memref_slice %arg3[%mul3A_27] : memref<9633792xf32, #tpu.memory_space<hbm>> -> memref<12544xf32, #tpu.memory_space<hbm>>
      tpu.enqueue_dma source(%dma_start3A_29 : memref<12544xf32, #tpu.memory_space<hbm>>) target(%arg6 : memref<12544xf32, #tpu.memory_space<vmem>>) target_semaphore(%arg9 : memref<!tpu.dma_semaphore, #tpu.memory_space<semaphore_mem>>)
      %not3A = arith.constant true
      %not3A_30 = arith.xori %le3A_17, %not3A : i1
      %convert_element_type3A = arith.extui %not3A_30 : i1 to i32
      %cond3A = arith.constant 0 : i32
      %cond3A_31 = arith.cmpi ne, %convert_element_type3A, %cond3A : i32
      scf.if %cond3A_31 {
        %sub3A = arith.constant 2 : i32
        %sub3A_116 = arith.subi %add3A_16, %sub3A : i32
        %mul3A_117 = arith.constant 50176 : i32
        %mul3A_118 = arith.muli %sub3A_116, %mul3A_117 : i32
        %dma_wait3A_119 = tpu.memref_slice %arg4[%mul3A_118] : memref<38535168xf32, #tpu.memory_space<hbm>> -> memref<50176xf32, #tpu.memory_space<hbm>>
        %dma_wait3A_120 = tpu.memref_slice %arg4[%mul3A_118] : memref<38535168xf32, #tpu.memory_space<hbm>> -> memref<50176xf32, #tpu.memory_space<hbm>>
        tpu.wait_dma2 semaphore(%arg10 : memref<!tpu.dma_semaphore, #tpu.memory_space<semaphore_mem>>) src(%arg7 : memref<50176xf32, #tpu.memory_space<vmem>>) dst(%dma_wait3A_120 : memref<50176xf32, #tpu.memory_space<hbm>>)
      } else {
      }
      %scan3A_32 = arith.constant 0 : i32
      %scan3A_33 = arith.constant 0 : i32
      %scan3A_34 = arith.constant 3136 : i32
      %scan3A_35 = arith.addi %scan3A_33, %scan3A_34 : i32
      %scan3A_36 = arith.constant 16 : i32
      scf.for %scan3A_116 = %scan3A_33 to %scan3A_35 step %scan3A_36  : i32 {
        %mul3A_117 = arith.constant 16 : i32
        %mul3A_118 = arith.muli %scan3A_116, %mul3A_117 : i32
        %multiple_of3A = tpu.assume_multiple %mul3A_118, 16 : i32
        %swap3A_119 = arith.index_cast %multiple_of3A : i32 to index
        %swap3A_120 = tpu.vector_load %arg7[%swap3A_119] {strides = array<i32>} : memref<50176xf32, #tpu.memory_space<vmem>>, vector<16xf32>,
        tpu.vector_store %arg7[%swap3A_119], %broadcast_in_dim3A_1 {strides = array<i32>} : memref<50176xf32, #tpu.memory_space<vmem>>, vector<16xf32>,
        %scan3A_121 = arith.constant 1 : i32
        %scan3A_122 = arith.addi %scan3A_116, %scan3A_121 : i32
        %mul3A_123 = arith.constant 16 : i32
        %mul3A_124 = arith.muli %scan3A_122, %mul3A_123 : i32
        %multiple_of3A_125 = tpu.assume_multiple %mul3A_124, 16 : i32
        %swap3A_126 = arith.index_cast %multiple_of3A_125 : i32 to index
        %swap3A_127 = tpu.vector_load %arg7[%swap3A_126] {strides = array<i32>} : memref<50176xf32, #tpu.memory_space<vmem>>, vector<16xf32>,
        tpu.vector_store %arg7[%swap3A_126], %broadcast_in_dim3A_1 {strides = array<i32>} : memref<50176xf32, #tpu.memory_space<vmem>>, vector<16xf32>,
        %scan3A_128 = arith.constant 2 : i32
        %scan3A_129 = arith.addi %scan3A_116, %scan3A_128 : i32
        %mul3A_130 = arith.constant 16 : i32
        %mul3A_131 = arith.muli %scan3A_129, %mul3A_130 : i32
        %multiple_of3A_132 = tpu.assume_multiple %mul3A_131, 16 : i32
        %swap3A_133 = arith.index_cast %multiple_of3A_132 : i32 to index
        %swap3A_134 = tpu.vector_load %arg7[%swap3A_133] {strides = array<i32>} : memref<50176xf32, #tpu.memory_space<vmem>>, vector<16xf32>,
        tpu.vector_store %arg7[%swap3A_133], %broadcast_in_dim3A_1 {strides = array<i32>} : memref<50176xf32, #tpu.memory_space<vmem>>, vector<16xf32>,
        %scan3A_135 = arith.constant 3 : i32
        %scan3A_136 = arith.addi %scan3A_116, %scan3A_135 : i32
        %mul3A_137 = arith.constant 16 : i32
        %mul3A_138 = arith.muli %scan3A_136, %mul3A_137 : i32
        %multiple_of3A_139 = tpu.assume_multiple %mul3A_138, 16 : i32
        %swap3A_140 = arith.index_cast %multiple_of3A_139 : i32 to index
        %swap3A_141 = tpu.vector_load %arg7[%swap3A_140] {strides = array<i32>} : memref<50176xf32, #tpu.memory_space<vmem>>, vector<16xf32>,
        tpu.vector_store %arg7[%swap3A_140], %broadcast_in_dim3A_1 {strides = array<i32>} : memref<50176xf32, #tpu.memory_space<vmem>>, vector<16xf32>,
        %scan3A_142 = arith.constant 4 : i32
        %scan3A_143 = arith.addi %scan3A_116, %scan3A_142 : i32
        %mul3A_144 = arith.constant 16 : i32
        %mul3A_145 = arith.muli %scan3A_143, %mul3A_144 : i32
        %multiple_of3A_146 = tpu.assume_multiple %mul3A_145, 16 : i32
        %swap3A_147 = arith.index_cast %multiple_of3A_146 : i32 to index
        %swap3A_148 = tpu.vector_load %arg7[%swap3A_147] {strides = array<i32>} : memref<50176xf32, #tpu.memory_space<vmem>>, vector<16xf32>,
        tpu.vector_store %arg7[%swap3A_147], %broadcast_in_dim3A_1 {strides = array<i32>} : memref<50176xf32, #tpu.memory_space<vmem>>, vector<16xf32>,
        %scan3A_149 = arith.constant 5 : i32
        %scan3A_150 = arith.addi %scan3A_116, %scan3A_149 : i32
        %mul3A_151 = arith.constant 16 : i32
        %mul3A_152 = arith.muli %scan3A_150, %mul3A_151 : i32
        %multiple_of3A_153 = tpu.assume_multiple %mul3A_152, 16 : i32
        %swap3A_154 = arith.index_cast %multiple_of3A_153 : i32 to index
        %swap3A_155 = tpu.vector_load %arg7[%swap3A_154] {strides = array<i32>} : memref<50176xf32, #tpu.memory_space<vmem>>, vector<16xf32>,
        tpu.vector_store %arg7[%swap3A_154], %broadcast_in_dim3A_1 {strides = array<i32>} : memref<50176xf32, #tpu.memory_space<vmem>>, vector<16xf32>,
        %scan3A_156 = arith.constant 6 : i32
        %scan3A_157 = arith.addi %scan3A_116, %scan3A_156 : i32
        %mul3A_158 = arith.constant 16 : i32
        %mul3A_159 = arith.muli %scan3A_157, %mul3A_158 : i32
        %multiple_of3A_160 = tpu.assume_multiple %mul3A_159, 16 : i32
        %swap3A_161 = arith.index_cast %multiple_of3A_160 : i32 to index
        %swap3A_162 = tpu.vector_load %arg7[%swap3A_161] {strides = array<i32>} : memref<50176xf32, #tpu.memory_space<vmem>>, vector<16xf32>,
        tpu.vector_store %arg7[%swap3A_161], %broadcast_in_dim3A_1 {strides = array<i32>} : memref<50176xf32, #tpu.memory_space<vmem>>, vector<16xf32>,
        %scan3A_163 = arith.constant 7 : i32
        %scan3A_164 = arith.addi %scan3A_116, %scan3A_163 : i32
        %mul3A_165 = arith.constant 16 : i32
        %mul3A_166 = arith.muli %scan3A_164, %mul3A_165 : i32
        %multiple_of3A_167 = tpu.assume_multiple %mul3A_166, 16 : i32
        %swap3A_168 = arith.index_cast %multiple_of3A_167 : i32 to index
        %swap3A_169 = tpu.vector_load %arg7[%swap3A_168] {strides = array<i32>} : memref<50176xf32, #tpu.memory_space<vmem>>, vector<16xf32>,
        tpu.vector_store %arg7[%swap3A_168], %broadcast_in_dim3A_1 {strides = array<i32>} : memref<50176xf32, #tpu.memory_space<vmem>>, vector<16xf32>,
        %scan3A_170 = arith.constant 8 : i32
        %scan3A_171 = arith.addi %scan3A_116, %scan3A_170 : i32
        %mul3A_172 = arith.constant 16 : i32
        %mul3A_173 = arith.muli %scan3A_171, %mul3A_172 : i32
        %multiple_of3A_174 = tpu.assume_multiple %mul3A_173, 16 : i32
        %swap3A_175 = arith.index_cast %multiple_of3A_174 : i32 to index
        %swap3A_176 = tpu.vector_load %arg7[%swap3A_175] {strides = array<i32>} : memref<50176xf32, #tpu.memory_space<vmem>>, vector<16xf32>,
        tpu.vector_store %arg7[%swap3A_175], %broadcast_in_dim3A_1 {strides = array<i32>} : memref<50176xf32, #tpu.memory_space<vmem>>, vector<16xf32>,
        %scan3A_177 = arith.constant 9 : i32
        %scan3A_178 = arith.addi %scan3A_116, %scan3A_177 : i32
        %mul3A_179 = arith.constant 16 : i32
        %mul3A_180 = arith.muli %scan3A_178, %mul3A_179 : i32
        %multiple_of3A_181 = tpu.assume_multiple %mul3A_180, 16 : i32
        %swap3A_182 = arith.index_cast %multiple_of3A_181 : i32 to index
        %swap3A_183 = tpu.vector_load %arg7[%swap3A_182] {strides = array<i32>} : memref<50176xf32, #tpu.memory_space<vmem>>, vector<16xf32>,
        tpu.vector_store %arg7[%swap3A_182], %broadcast_in_dim3A_1 {strides = array<i32>} : memref<50176xf32, #tpu.memory_space<vmem>>, vector<16xf32>,
        %scan3A_184 = arith.constant 10 : i32
        %scan3A_185 = arith.addi %scan3A_116, %scan3A_184 : i32
        %mul3A_186 = arith.constant 16 : i32
        %mul3A_187 = arith.muli %scan3A_185, %mul3A_186 : i32
        %multiple_of3A_188 = tpu.assume_multiple %mul3A_187, 16 : i32
        %swap3A_189 = arith.index_cast %multiple_of3A_188 : i32 to index
        %swap3A_190 = tpu.vector_load %arg7[%swap3A_189] {strides = array<i32>} : memref<50176xf32, #tpu.memory_space<vmem>>, vector<16xf32>,
        tpu.vector_store %arg7[%swap3A_189], %broadcast_in_dim3A_1 {strides = array<i32>} : memref<50176xf32, #tpu.memory_space<vmem>>, vector<16xf32>,
        %scan3A_191 = arith.constant 11 : i32
        %scan3A_192 = arith.addi %scan3A_116, %scan3A_191 : i32
        %mul3A_193 = arith.constant 16 : i32
        %mul3A_194 = arith.muli %scan3A_192, %mul3A_193 : i32
        %multiple_of3A_195 = tpu.assume_multiple %mul3A_194, 16 : i32
        %swap3A_196 = arith.index_cast %multiple_of3A_195 : i32 to index
        %swap3A_197 = tpu.vector_load %arg7[%swap3A_196] {strides = array<i32>} : memref<50176xf32, #tpu.memory_space<vmem>>, vector<16xf32>,
        tpu.vector_store %arg7[%swap3A_196], %broadcast_in_dim3A_1 {strides = array<i32>} : memref<50176xf32, #tpu.memory_space<vmem>>, vector<16xf32>,
        %scan3A_198 = arith.constant 12 : i32
        %scan3A_199 = arith.addi %scan3A_116, %scan3A_198 : i32
        %mul3A_200 = arith.constant 16 : i32
        %mul3A_201 = arith.muli %scan3A_199, %mul3A_200 : i32
        %multiple_of3A_202 = tpu.assume_multiple %mul3A_201, 16 : i32
        %swap3A_203 = arith.index_cast %multiple_of3A_202 : i32 to index
        %swap3A_204 = tpu.vector_load %arg7[%swap3A_203] {strides = array<i32>} : memref<50176xf32, #tpu.memory_space<vmem>>, vector<16xf32>,
        tpu.vector_store %arg7[%swap3A_203], %broadcast_in_dim3A_1 {strides = array<i32>} : memref<50176xf32, #tpu.memory_space<vmem>>, vector<16xf32>,
        %scan3A_205 = arith.constant 13 : i32
        %scan3A_206 = arith.addi %scan3A_116, %scan3A_205 : i32
        %mul3A_207 = arith.constant 16 : i32
        %mul3A_208 = arith.muli %scan3A_206, %mul3A_207 : i32
        %multiple_of3A_209 = tpu.assume_multiple %mul3A_208, 16 : i32
        %swap3A_210 = arith.index_cast %multiple_of3A_209 : i32 to index
        %swap3A_211 = tpu.vector_load %arg7[%swap3A_210] {strides = array<i32>} : memref<50176xf32, #tpu.memory_space<vmem>>, vector<16xf32>,
        tpu.vector_store %arg7[%swap3A_210], %broadcast_in_dim3A_1 {strides = array<i32>} : memref<50176xf32, #tpu.memory_space<vmem>>, vector<16xf32>,
        %scan3A_212 = arith.constant 14 : i32
        %scan3A_213 = arith.addi %scan3A_116, %scan3A_212 : i32
        %mul3A_214 = arith.constant 16 : i32
        %mul3A_215 = arith.muli %scan3A_213, %mul3A_214 : i32
        %multiple_of3A_216 = tpu.assume_multiple %mul3A_215, 16 : i32
        %swap3A_217 = arith.index_cast %multiple_of3A_216 : i32 to index
        %swap3A_218 = tpu.vector_load %arg7[%swap3A_217] {strides = array<i32>} : memref<50176xf32, #tpu.memory_space<vmem>>, vector<16xf32>,
        tpu.vector_store %arg7[%swap3A_217], %broadcast_in_dim3A_1 {strides = array<i32>} : memref<50176xf32, #tpu.memory_space<vmem>>, vector<16xf32>,
        %scan3A_219 = arith.constant 15 : i32
        %scan3A_220 = arith.addi %scan3A_116, %scan3A_219 : i32
        %mul3A_221 = arith.constant 16 : i32
        %mul3A_222 = arith.muli %scan3A_220, %mul3A_221 : i32
        %multiple_of3A_223 = tpu.assume_multiple %mul3A_222, 16 : i32
        %swap3A_224 = arith.index_cast %multiple_of3A_223 : i32 to index
        %swap3A_225 = tpu.vector_load %arg7[%swap3A_224] {strides = array<i32>} : memref<50176xf32, #tpu.memory_space<vmem>>, vector<16xf32>,
        tpu.vector_store %arg7[%swap3A_224], %broadcast_in_dim3A_1 {strides = array<i32>} : memref<50176xf32, #tpu.memory_space<vmem>>, vector<16xf32>,
      }
      %scan3A_37 = arith.constant 3136 : i32
      %dma_wait3A = arith.constant 0 : i32
      %dma_wait3A_38 = tpu.memref_slice %arg5[%dma_wait3A] : memref<12560xi32, #tpu.memory_space<vmem>> -> memref<12544xi32, #tpu.memory_space<vmem>>
      %dma_wait3A_39 = tpu.memref_slice %arg2[%mul3A_20] : memref<9633792xi32, #tpu.memory_space<hbm>> -> memref<12544xi32, #tpu.memory_space<hbm>>
      %dma_wait3A_40 = arith.constant 0 : i32
      %dma_wait3A_41 = tpu.memref_slice %arg5[%dma_wait3A_40] : memref<12560xi32, #tpu.memory_space<vmem>> -> memref<12544xi32, #tpu.memory_space<vmem>>
      %dma_wait3A_42 = tpu.memref_slice %arg2[%mul3A_20] : memref<9633792xi32, #tpu.memory_space<hbm>> -> memref<12544xi32, #tpu.memory_space<hbm>>
      tpu.wait_dma2 semaphore(%arg9 : memref<!tpu.dma_semaphore, #tpu.memory_space<semaphore_mem>>) src(%dma_wait3A_42 : memref<12544xi32, #tpu.memory_space<hbm>>) dst(%dma_wait3A_41 : memref<12544xi32, #tpu.memory_space<vmem>>)
      %dma_wait3A_43 = tpu.memref_slice %arg3[%mul3A_27] : memref<9633792xf32, #tpu.memory_space<hbm>> -> memref<12544xf32, #tpu.memory_space<hbm>>
      %dma_wait3A_44 = tpu.memref_slice %arg3[%mul3A_27] : memref<9633792xf32, #tpu.memory_space<hbm>> -> memref<12544xf32, #tpu.memory_space<hbm>>
      tpu.wait_dma2 semaphore(%arg9 : memref<!tpu.dma_semaphore, #tpu.memory_space<semaphore_mem>>) src(%dma_wait3A_44 : memref<12544xf32, #tpu.memory_space<hbm>>) dst(%arg6 : memref<12544xf32, #tpu.memory_space<vmem>>)
      %swap3A = arith.constant 12544 : index
      %swap3A_45 = tpu.vector_load %arg5[%swap3A] {strides = array<i32>} : memref<12560xi32, #tpu.memory_space<vmem>>, vector<16xi32>,
      tpu.vector_store %arg5[%swap3A], %broadcast_in_dim3A_3 {strides = array<i32>} : memref<12560xi32, #tpu.memory_space<vmem>>, vector<16xi32>,
      %mul3A_46 = arith.constant 50176 : i32
      %mul3A_47 = arith.muli %add3A_16, %mul3A_46 : i32
      %scan3A_48 = arith.constant 0 : i32
      %scan3A_49 = arith.constant 0 : i32
      %scan3A_50 = arith.constant 784 : i32
      %scan3A_51 = arith.addi %scan3A_49, %scan3A_50 : i32
      %scan3A_52 = arith.constant 8 : i32
      scf.for %scan3A_116 = %scan3A_49 to %scan3A_51 step %scan3A_52  : i32 {
        %mul3A_117 = arith.constant 16 : i32
        %mul3A_118 = arith.muli %scan3A_116, %mul3A_117 : i32
        %multiple_of3A = tpu.assume_multiple %mul3A_118, 16 : i32
        %get3A = arith.index_cast %multiple_of3A : i32 to index
        %get3A_119 = tpu.vector_load %arg5[%get3A] {strides = array<i32>} : memref<12560xi32, #tpu.memory_space<vmem>>, vector<16xi32>,
        %mul3A_120 = arith.constant 16 : i32
        %mul3A_121 = arith.muli %scan3A_116, %mul3A_120 : i32
        %add3A_122 = arith.constant 1 : i32
        %add3A_123 = arith.addi %mul3A_121, %add3A_122 : i32
        %get3A_124 = arith.index_cast %add3A_123 : i32 to index
        %get3A_125 = tpu.vector_load %arg5[%get3A_124] {strides = array<i32>} : memref<12560xi32, #tpu.memory_space<vmem>>, vector<16xi32>,
        %get3A_126 = arith.index_cast %multiple_of3A : i32 to index
        %get3A_127 = tpu.vector_load %arg6[%get3A_126] {strides = array<i32>} : memref<12544xf32, #tpu.memory_space<vmem>>, vector<16xf32>,
        %ne3A = arith.cmpi ne, %get3A_119, %get3A_125 : vector<16xi32>
        %sub3A = vector.broadcast %mul3A_47 : i32 to vector<16xi32>
        %sub3A_128 = arith.subi %get3A_119, %sub3A : vector<16xi32>
        tpu.vector_store_idx %arg7[%sub3A_128], %get3A_127 masked %ne3A : memref<50176xf32, #tpu.memory_space<vmem>>[vector<16xi32>], vector<16xf32>, vector<16xi1>
        %scan3A_129 = arith.constant 1 : i32
        %scan3A_130 = arith.addi %scan3A_116, %scan3A_129 : i32
        %mul3A_131 = arith.constant 16 : i32
        %mul3A_132 = arith.muli %scan3A_130, %mul3A_131 : i32
        %multiple_of3A_133 = tpu.assume_multiple %mul3A_132, 16 : i32
        %get3A_134 = arith.index_cast %multiple_of3A_133 : i32 to index
        %get3A_135 = tpu.vector_load %arg5[%get3A_134] {strides = array<i32>} : memref<12560xi32, #tpu.memory_space<vmem>>, vector<16xi32>,
        %mul3A_136 = arith.constant 16 : i32
        %mul3A_137 = arith.muli %scan3A_130, %mul3A_136 : i32
        %add3A_138 = arith.constant 1 : i32
        %add3A_139 = arith.addi %mul3A_137, %add3A_138 : i32
        %get3A_140 = arith.index_cast %add3A_139 : i32 to index
        %get3A_141 = tpu.vector_load %arg5[%get3A_140] {strides = array<i32>} : memref<12560xi32, #tpu.memory_space<vmem>>, vector<16xi32>,
        %get3A_142 = arith.index_cast %multiple_of3A_133 : i32 to index
        %get3A_143 = tpu.vector_load %arg6[%get3A_142] {strides = array<i32>} : memref<12544xf32, #tpu.memory_space<vmem>>, vector<16xf32>,
        %ne3A_144 = arith.cmpi ne, %get3A_135, %get3A_141 : vector<16xi32>
        %sub3A_145 = vector.broadcast %mul3A_47 : i32 to vector<16xi32>
        %sub3A_146 = arith.subi %get3A_135, %sub3A_145 : vector<16xi32>
        tpu.vector_store_idx %arg7[%sub3A_146], %get3A_143 masked %ne3A_144 : memref<50176xf32, #tpu.memory_space<vmem>>[vector<16xi32>], vector<16xf32>, vector<16xi1>
        %scan3A_147 = arith.constant 2 : i32
        %scan3A_148 = arith.addi %scan3A_116, %scan3A_147 : i32
        %mul3A_149 = arith.constant 16 : i32
        %mul3A_150 = arith.muli %scan3A_148, %mul3A_149 : i32
        %multiple_of3A_151 = tpu.assume_multiple %mul3A_150, 16 : i32
        %get3A_152 = arith.index_cast %multiple_of3A_151 : i32 to index
        %get3A_153 = tpu.vector_load %arg5[%get3A_152] {strides = array<i32>} : memref<12560xi32, #tpu.memory_space<vmem>>, vector<16xi32>,
        %mul3A_154 = arith.constant 16 : i32
        %mul3A_155 = arith.muli %scan3A_148, %mul3A_154 : i32
        %add3A_156 = arith.constant 1 : i32
        %add3A_157 = arith.addi %mul3A_155, %add3A_156 : i32
        %get3A_158 = arith.index_cast %add3A_157 : i32 to index
        %get3A_159 = tpu.vector_load %arg5[%get3A_158] {strides = array<i32>} : memref<12560xi32, #tpu.memory_space<vmem>>, vector<16xi32>,
        %get3A_160 = arith.index_cast %multiple_of3A_151 : i32 to index
        %get3A_161 = tpu.vector_load %arg6[%get3A_160] {strides = array<i32>} : memref<12544xf32, #tpu.memory_space<vmem>>, vector<16xf32>,
        %ne3A_162 = arith.cmpi ne, %get3A_153, %get3A_159 : vector<16xi32>
        %sub3A_163 = vector.broadcast %mul3A_47 : i32 to vector<16xi32>
        %sub3A_164 = arith.subi %get3A_153, %sub3A_163 : vector<16xi32>
        tpu.vector_store_idx %arg7[%sub3A_164], %get3A_161 masked %ne3A_162 : memref<50176xf32, #tpu.memory_space<vmem>>[vector<16xi32>], vector<16xf32>, vector<16xi1>
        %scan3A_165 = arith.constant 3 : i32
        %scan3A_166 = arith.addi %scan3A_116, %scan3A_165 : i32
        %mul3A_167 = arith.constant 16 : i32
        %mul3A_168 = arith.muli %scan3A_166, %mul3A_167 : i32
        %multiple_of3A_169 = tpu.assume_multiple %mul3A_168, 16 : i32
        %get3A_170 = arith.index_cast %multiple_of3A_169 : i32 to index
        %get3A_171 = tpu.vector_load %arg5[%get3A_170] {strides = array<i32>} : memref<12560xi32, #tpu.memory_space<vmem>>, vector<16xi32>,
        %mul3A_172 = arith.constant 16 : i32
        %mul3A_173 = arith.muli %scan3A_166, %mul3A_172 : i32
        %add3A_174 = arith.constant 1 : i32
        %add3A_175 = arith.addi %mul3A_173, %add3A_174 : i32
        %get3A_176 = arith.index_cast %add3A_175 : i32 to index
        %get3A_177 = tpu.vector_load %arg5[%get3A_176] {strides = array<i32>} : memref<12560xi32, #tpu.memory_space<vmem>>, vector<16xi32>,
        %get3A_178 = arith.index_cast %multiple_of3A_169 : i32 to index
        %get3A_179 = tpu.vector_load %arg6[%get3A_178] {strides = array<i32>} : memref<12544xf32, #tpu.memory_space<vmem>>, vector<16xf32>,
        %ne3A_180 = arith.cmpi ne, %get3A_171, %get3A_177 : vector<16xi32>
        %sub3A_181 = vector.broadcast %mul3A_47 : i32 to vector<16xi32>
        %sub3A_182 = arith.subi %get3A_171, %sub3A_181 : vector<16xi32>
        tpu.vector_store_idx %arg7[%sub3A_182], %get3A_179 masked %ne3A_180 : memref<50176xf32, #tpu.memory_space<vmem>>[vector<16xi32>], vector<16xf32>, vector<16xi1>
        %scan3A_183 = arith.constant 4 : i32
        %scan3A_184 = arith.addi %scan3A_116, %scan3A_183 : i32
        %mul3A_185 = arith.constant 16 : i32
        %mul3A_186 = arith.muli %scan3A_184, %mul3A_185 : i32
        %multiple_of3A_187 = tpu.assume_multiple %mul3A_186, 16 : i32
        %get3A_188 = arith.index_cast %multiple_of3A_187 : i32 to index
        %get3A_189 = tpu.vector_load %arg5[%get3A_188] {strides = array<i32>} : memref<12560xi32, #tpu.memory_space<vmem>>, vector<16xi32>,
        %mul3A_190 = arith.constant 16 : i32
        %mul3A_191 = arith.muli %scan3A_184, %mul3A_190 : i32
        %add3A_192 = arith.constant 1 : i32
        %add3A_193 = arith.addi %mul3A_191, %add3A_192 : i32
        %get3A_194 = arith.index_cast %add3A_193 : i32 to index
        %get3A_195 = tpu.vector_load %arg5[%get3A_194] {strides = array<i32>} : memref<12560xi32, #tpu.memory_space<vmem>>, vector<16xi32>,
        %get3A_196 = arith.index_cast %multiple_of3A_187 : i32 to index
        %get3A_197 = tpu.vector_load %arg6[%get3A_196] {strides = array<i32>} : memref<12544xf32, #tpu.memory_space<vmem>>, vector<16xf32>,
        %ne3A_198 = arith.cmpi ne, %get3A_189, %get3A_195 : vector<16xi32>
        %sub3A_199 = vector.broadcast %mul3A_47 : i32 to vector<16xi32>
        %sub3A_200 = arith.subi %get3A_189, %sub3A_199 : vector<16xi32>
        tpu.vector_store_idx %arg7[%sub3A_200], %get3A_197 masked %ne3A_198 : memref<50176xf32, #tpu.memory_space<vmem>>[vector<16xi32>], vector<16xf32>, vector<16xi1>
        %scan3A_201 = arith.constant 5 : i32
        %scan3A_202 = arith.addi %scan3A_116, %scan3A_201 : i32
        %mul3A_203 = arith.constant 16 : i32
        %mul3A_204 = arith.muli %scan3A_202, %mul3A_203 : i32
        %multiple_of3A_205 = tpu.assume_multiple %mul3A_204, 16 : i32
        %get3A_206 = arith.index_cast %multiple_of3A_205 : i32 to index
        %get3A_207 = tpu.vector_load %arg5[%get3A_206] {strides = array<i32>} : memref<12560xi32, #tpu.memory_space<vmem>>, vector<16xi32>,
        %mul3A_208 = arith.constant 16 : i32
        %mul3A_209 = arith.muli %scan3A_202, %mul3A_208 : i32
        %add3A_210 = arith.constant 1 : i32
        %add3A_211 = arith.addi %mul3A_209, %add3A_210 : i32
        %get3A_212 = arith.index_cast %add3A_211 : i32 to index
        %get3A_213 = tpu.vector_load %arg5[%get3A_212] {strides = array<i32>} : memref<12560xi32, #tpu.memory_space<vmem>>, vector<16xi32>,
        %get3A_214 = arith.index_cast %multiple_of3A_205 : i32 to index
        %get3A_215 = tpu.vector_load %arg6[%get3A_214] {strides = array<i32>} : memref<12544xf32, #tpu.memory_space<vmem>>, vector<16xf32>,
        %ne3A_216 = arith.cmpi ne, %get3A_207, %get3A_213 : vector<16xi32>
        %sub3A_217 = vector.broadcast %mul3A_47 : i32 to vector<16xi32>
        %sub3A_218 = arith.subi %get3A_207, %sub3A_217 : vector<16xi32>
        tpu.vector_store_idx %arg7[%sub3A_218], %get3A_215 masked %ne3A_216 : memref<50176xf32, #tpu.memory_space<vmem>>[vector<16xi32>], vector<16xf32>, vector<16xi1>
        %scan3A_219 = arith.constant 6 : i32
        %scan3A_220 = arith.addi %scan3A_116, %scan3A_219 : i32
        %mul3A_221 = arith.constant 16 : i32
        %mul3A_222 = arith.muli %scan3A_220, %mul3A_221 : i32
        %multiple_of3A_223 = tpu.assume_multiple %mul3A_222, 16 : i32
        %get3A_224 = arith.index_cast %multiple_of3A_223 : i32 to index
        %get3A_225 = tpu.vector_load %arg5[%get3A_224] {strides = array<i32>} : memref<12560xi32, #tpu.memory_space<vmem>>, vector<16xi32>,
        %mul3A_226 = arith.constant 16 : i32
        %mul3A_227 = arith.muli %scan3A_220, %mul3A_226 : i32
        %add3A_228 = arith.constant 1 : i32
        %add3A_229 = arith.addi %mul3A_227, %add3A_228 : i32
        %get3A_230 = arith.index_cast %add3A_229 : i32 to index
        %get3A_231 = tpu.vector_load %arg5[%get3A_230] {strides = array<i32>} : memref<12560xi32, #tpu.memory_space<vmem>>, vector<16xi32>,
        %get3A_232 = arith.index_cast %multiple_of3A_223 : i32 to index
        %get3A_233 = tpu.vector_load %arg6[%get3A_232] {strides = array<i32>} : memref<12544xf32, #tpu.memory_space<vmem>>, vector<16xf32>,
        %ne3A_234 = arith.cmpi ne, %get3A_225, %get3A_231 : vector<16xi32>
        %sub3A_235 = vector.broadcast %mul3A_47 : i32 to vector<16xi32>
        %sub3A_236 = arith.subi %get3A_225, %sub3A_235 : vector<16xi32>
        tpu.vector_store_idx %arg7[%sub3A_236], %get3A_233 masked %ne3A_234 : memref<50176xf32, #tpu.memory_space<vmem>>[vector<16xi32>], vector<16xf32>, vector<16xi1>
        %scan3A_237 = arith.constant 7 : i32
        %scan3A_238 = arith.addi %scan3A_116, %scan3A_237 : i32
        %mul3A_239 = arith.constant 16 : i32
        %mul3A_240 = arith.muli %scan3A_238, %mul3A_239 : i32
        %multiple_of3A_241 = tpu.assume_multiple %mul3A_240, 16 : i32
        %get3A_242 = arith.index_cast %multiple_of3A_241 : i32 to index
        %get3A_243 = tpu.vector_load %arg5[%get3A_242] {strides = array<i32>} : memref<12560xi32, #tpu.memory_space<vmem>>, vector<16xi32>,
        %mul3A_244 = arith.constant 16 : i32
        %mul3A_245 = arith.muli %scan3A_238, %mul3A_244 : i32
        %add3A_246 = arith.constant 1 : i32
        %add3A_247 = arith.addi %mul3A_245, %add3A_246 : i32
        %get3A_248 = arith.index_cast %add3A_247 : i32 to index
        %get3A_249 = tpu.vector_load %arg5[%get3A_248] {strides = array<i32>} : memref<12560xi32, #tpu.memory_space<vmem>>, vector<16xi32>,
        %get3A_250 = arith.index_cast %multiple_of3A_241 : i32 to index
        %get3A_251 = tpu.vector_load %arg6[%get3A_250] {strides = array<i32>} : memref<12544xf32, #tpu.memory_space<vmem>>, vector<16xf32>,
        %ne3A_252 = arith.cmpi ne, %get3A_243, %get3A_249 : vector<16xi32>
        %sub3A_253 = vector.broadcast %mul3A_47 : i32 to vector<16xi32>
        %sub3A_254 = arith.subi %get3A_243, %sub3A_253 : vector<16xi32>
        tpu.vector_store_idx %arg7[%sub3A_254], %get3A_251 masked %ne3A_252 : memref<50176xf32, #tpu.memory_space<vmem>>[vector<16xi32>], vector<16xf32>, vector<16xi1>
      }
      %scan3A_53 = arith.constant 784 : i32
      %dma_start3A_54 = tpu.memref_slice %arg4[%mul3A_47] : memref<38535168xf32, #tpu.memory_space<hbm>> -> memref<50176xf32, #tpu.memory_space<hbm>>
      %dma_start3A_55 = tpu.memref_slice %arg4[%mul3A_47] : memref<38535168xf32, #tpu.memory_space<hbm>> -> memref<50176xf32, #tpu.memory_space<hbm>>
      tpu.enqueue_dma source(%arg7 : memref<50176xf32, #tpu.memory_space<vmem>>) target(%dma_start3A_55 : memref<50176xf32, #tpu.memory_space<hbm>>) target_semaphore(%arg10 : memref<!tpu.dma_semaphore, #tpu.memory_space<semaphore_mem>>)
      %convert_element_type3A_56 = arith.extui %ge3A_18 : i1 to i32
      %cond3A_57 = arith.constant 0 : i32
      %cond3A_58 = arith.cmpi ne, %convert_element_type3A_56, %cond3A_57 : i32
      scf.if %cond3A_58 {
        %dma_wait3A_116 = tpu.memref_slice %arg4[%mul3A_47] : memref<38535168xf32, #tpu.memory_space<hbm>> -> memref<50176xf32, #tpu.memory_space<hbm>>
        %dma_wait3A_117 = tpu.memref_slice %arg4[%mul3A_47] : memref<38535168xf32, #tpu.memory_space<hbm>> -> memref<50176xf32, #tpu.memory_space<hbm>>
        tpu.wait_dma2 semaphore(%arg10 : memref<!tpu.dma_semaphore, #tpu.memory_space<semaphore_mem>>) src(%arg7 : memref<50176xf32, #tpu.memory_space<vmem>>) dst(%dma_wait3A_117 : memref<50176xf32, #tpu.memory_space<hbm>>)
      } else {
      }
      %mul3A_59 = arith.constant 2 : i32
      %mul3A_60 = arith.muli %scan3A_9, %mul3A_59 : i32
      %add3A_61 = arith.constant 1 : i32
      %add3A_62 = arith.addi %mul3A_60, %add3A_61 : i32
      %mul3A_63 = arith.constant 24 : i32
      %mul3A_64 = arith.muli %add3A, %mul3A_63 : i32
      %add3A_65 = arith.addi %mul3A_64, %add3A_62 : i32
      %le3A_66 = arith.constant 1 : i32
      %le3A_67 = arith.cmpi sle, %add3A_62, %le3A_66 : i32
      %ge3A_68 = arith.constant 22 : i32
      %ge3A_69 = arith.cmpi sge, %add3A_62, %ge3A_68 : i32
      %mul3A_70 = arith.constant 12544 : i32
      %mul3A_71 = arith.muli %add3A_65, %mul3A_70 : i32
      %dma_start3A_72 = arith.constant 0 : i32
      %dma_start3A_73 = tpu.memref_slice %arg5[%dma_start3A_72] : memref<12560xi32, #tpu.memory_space<vmem>> -> memref<12544xi32, #tpu.memory_space<vmem>>
      %dma_start3A_74 = tpu.memref_slice %arg2[%mul3A_71] : memref<9633792xi32, #tpu.memory_space<hbm>> -> memref<12544xi32, #tpu.memory_space<hbm>>
      %dma_start3A_75 = arith.constant 0 : i32
      %dma_start3A_76 = tpu.memref_slice %arg5[%dma_start3A_75] : memref<12560xi32, #tpu.memory_space<vmem>> -> memref<12544xi32, #tpu.memory_space<vmem>>
      %dma_start3A_77 = tpu.memref_slice %arg2[%mul3A_71] : memref<9633792xi32, #tpu.memory_space<hbm>> -> memref<12544xi32, #tpu.memory_space<hbm>>
      tpu.enqueue_dma source(%dma_start3A_77 : memref<12544xi32, #tpu.memory_space<hbm>>) target(%dma_start3A_76 : memref<12544xi32, #tpu.memory_space<vmem>>) target_semaphore(%arg9 : memref<!tpu.dma_semaphore, #tpu.memory_space<semaphore_mem>>)
      %mul3A_78 = arith.constant 12544 : i32
      %mul3A_79 = arith.muli %add3A_65, %mul3A_78 : i32
      %dma_start3A_80 = tpu.memref_slice %arg3[%mul3A_79] : memref<9633792xf32, #tpu.memory_space<hbm>> -> memref<12544xf32, #tpu.memory_space<hbm>>
      %dma_start3A_81 = tpu.memref_slice %arg3[%mul3A_79] : memref<9633792xf32, #tpu.memory_space<hbm>> -> memref<12544xf32, #tpu.memory_space<hbm>>
      tpu.enqueue_dma source(%dma_start3A_81 : memref<12544xf32, #tpu.memory_space<hbm>>) target(%arg6 : memref<12544xf32, #tpu.memory_space<vmem>>) target_semaphore(%arg9 : memref<!tpu.dma_semaphore, #tpu.memory_space<semaphore_mem>>)
      %not3A_82 = arith.constant true
      %not3A_83 = arith.xori %le3A_67, %not3A_82 : i1
      %convert_element_type3A_84 = arith.extui %not3A_83 : i1 to i32
      %cond3A_85 = arith.constant 0 : i32
      %cond3A_86 = arith.cmpi ne, %convert_element_type3A_84, %cond3A_85 : i32
      scf.if %cond3A_86 {
        %sub3A = arith.constant 2 : i32
        %sub3A_116 = arith.subi %add3A_65, %sub3A : i32
        %mul3A_117 = arith.constant 50176 : i32
        %mul3A_118 = arith.muli %sub3A_116, %mul3A_117 : i32
        %dma_wait3A_119 = tpu.memref_slice %arg4[%mul3A_118] : memref<38535168xf32, #tpu.memory_space<hbm>> -> memref<50176xf32, #tpu.memory_space<hbm>>
        %dma_wait3A_120 = tpu.memref_slice %arg4[%mul3A_118] : memref<38535168xf32, #tpu.memory_space<hbm>> -> memref<50176xf32, #tpu.memory_space<hbm>>
        tpu.wait_dma2 semaphore(%arg11 : memref<!tpu.dma_semaphore, #tpu.memory_space<semaphore_mem>>) src(%arg8 : memref<50176xf32, #tpu.memory_space<vmem>>) dst(%dma_wait3A_120 : memref<50176xf32, #tpu.memory_space<hbm>>)
      } else {
      }
      %scan3A_87 = arith.constant 0 : i32
      %scan3A_88 = arith.constant 0 : i32
      %scan3A_89 = arith.constant 3136 : i32
      %scan3A_90 = arith.addi %scan3A_88, %scan3A_89 : i32
      %scan3A_91 = arith.constant 16 : i32
      scf.for %scan3A_116 = %scan3A_88 to %scan3A_90 step %scan3A_91  : i32 {
        %mul3A_117 = arith.constant 16 : i32
        %mul3A_118 = arith.muli %scan3A_116, %mul3A_117 : i32
        %multiple_of3A = tpu.assume_multiple %mul3A_118, 16 : i32
        %swap3A_119 = arith.index_cast %multiple_of3A : i32 to index
        %swap3A_120 = tpu.vector_load %arg8[%swap3A_119] {strides = array<i32>} : memref<50176xf32, #tpu.memory_space<vmem>>, vector<16xf32>,
        tpu.vector_store %arg8[%swap3A_119], %broadcast_in_dim3A_1 {strides = array<i32>} : memref<50176xf32, #tpu.memory_space<vmem>>, vector<16xf32>,
        %scan3A_121 = arith.constant 1 : i32
        %scan3A_122 = arith.addi %scan3A_116, %scan3A_121 : i32
        %mul3A_123 = arith.constant 16 : i32
        %mul3A_124 = arith.muli %scan3A_122, %mul3A_123 : i32
        %multiple_of3A_125 = tpu.assume_multiple %mul3A_124, 16 : i32
        %swap3A_126 = arith.index_cast %multiple_of3A_125 : i32 to index
        %swap3A_127 = tpu.vector_load %arg8[%swap3A_126] {strides = array<i32>} : memref<50176xf32, #tpu.memory_space<vmem>>, vector<16xf32>,
        tpu.vector_store %arg8[%swap3A_126], %broadcast_in_dim3A_1 {strides = array<i32>} : memref<50176xf32, #tpu.memory_space<vmem>>, vector<16xf32>,
        %scan3A_128 = arith.constant 2 : i32
        %scan3A_129 = arith.addi %scan3A_116, %scan3A_128 : i32
        %mul3A_130 = arith.constant 16 : i32
        %mul3A_131 = arith.muli %scan3A_129, %mul3A_130 : i32
        %multiple_of3A_132 = tpu.assume_multiple %mul3A_131, 16 : i32
        %swap3A_133 = arith.index_cast %multiple_of3A_132 : i32 to index
        %swap3A_134 = tpu.vector_load %arg8[%swap3A_133] {strides = array<i32>} : memref<50176xf32, #tpu.memory_space<vmem>>, vector<16xf32>,
        tpu.vector_store %arg8[%swap3A_133], %broadcast_in_dim3A_1 {strides = array<i32>} : memref<50176xf32, #tpu.memory_space<vmem>>, vector<16xf32>,
        %scan3A_135 = arith.constant 3 : i32
        %scan3A_136 = arith.addi %scan3A_116, %scan3A_135 : i32
        %mul3A_137 = arith.constant 16 : i32
        %mul3A_138 = arith.muli %scan3A_136, %mul3A_137 : i32
        %multiple_of3A_139 = tpu.assume_multiple %mul3A_138, 16 : i32
        %swap3A_140 = arith.index_cast %multiple_of3A_139 : i32 to index
        %swap3A_141 = tpu.vector_load %arg8[%swap3A_140] {strides = array<i32>} : memref<50176xf32, #tpu.memory_space<vmem>>, vector<16xf32>,
        tpu.vector_store %arg8[%swap3A_140], %broadcast_in_dim3A_1 {strides = array<i32>} : memref<50176xf32, #tpu.memory_space<vmem>>, vector<16xf32>,
        %scan3A_142 = arith.constant 4 : i32
        %scan3A_143 = arith.addi %scan3A_116, %scan3A_142 : i32
        %mul3A_144 = arith.constant 16 : i32
        %mul3A_145 = arith.muli %scan3A_143, %mul3A_144 : i32
        %multiple_of3A_146 = tpu.assume_multiple %mul3A_145, 16 : i32
        %swap3A_147 = arith.index_cast %multiple_of3A_146 : i32 to index
        %swap3A_148 = tpu.vector_load %arg8[%swap3A_147] {strides = array<i32>} : memref<50176xf32, #tpu.memory_space<vmem>>, vector<16xf32>,
        tpu.vector_store %arg8[%swap3A_147], %broadcast_in_dim3A_1 {strides = array<i32>} : memref<50176xf32, #tpu.memory_space<vmem>>, vector<16xf32>,
        %scan3A_149 = arith.constant 5 : i32
        %scan3A_150 = arith.addi %scan3A_116, %scan3A_149 : i32
        %mul3A_151 = arith.constant 16 : i32
        %mul3A_152 = arith.muli %scan3A_150, %mul3A_151 : i32
        %multiple_of3A_153 = tpu.assume_multiple %mul3A_152, 16 : i32
        %swap3A_154 = arith.index_cast %multiple_of3A_153 : i32 to index
        %swap3A_155 = tpu.vector_load %arg8[%swap3A_154] {strides = array<i32>} : memref<50176xf32, #tpu.memory_space<vmem>>, vector<16xf32>,
        tpu.vector_store %arg8[%swap3A_154], %broadcast_in_dim3A_1 {strides = array<i32>} : memref<50176xf32, #tpu.memory_space<vmem>>, vector<16xf32>,
        %scan3A_156 = arith.constant 6 : i32
        %scan3A_157 = arith.addi %scan3A_116, %scan3A_156 : i32
        %mul3A_158 = arith.constant 16 : i32
        %mul3A_159 = arith.muli %scan3A_157, %mul3A_158 : i32
        %multiple_of3A_160 = tpu.assume_multiple %mul3A_159, 16 : i32
        %swap3A_161 = arith.index_cast %multiple_of3A_160 : i32 to index
        %swap3A_162 = tpu.vector_load %arg8[%swap3A_161] {strides = array<i32>} : memref<50176xf32, #tpu.memory_space<vmem>>, vector<16xf32>,
        tpu.vector_store %arg8[%swap3A_161], %broadcast_in_dim3A_1 {strides = array<i32>} : memref<50176xf32, #tpu.memory_space<vmem>>, vector<16xf32>,
        %scan3A_163 = arith.constant 7 : i32
        %scan3A_164 = arith.addi %scan3A_116, %scan3A_163 : i32
        %mul3A_165 = arith.constant 16 : i32
        %mul3A_166 = arith.muli %scan3A_164, %mul3A_165 : i32
        %multiple_of3A_167 = tpu.assume_multiple %mul3A_166, 16 : i32
        %swap3A_168 = arith.index_cast %multiple_of3A_167 : i32 to index
        %swap3A_169 = tpu.vector_load %arg8[%swap3A_168] {strides = array<i32>} : memref<50176xf32, #tpu.memory_space<vmem>>, vector<16xf32>,
        tpu.vector_store %arg8[%swap3A_168], %broadcast_in_dim3A_1 {strides = array<i32>} : memref<50176xf32, #tpu.memory_space<vmem>>, vector<16xf32>,
        %scan3A_170 = arith.constant 8 : i32
        %scan3A_171 = arith.addi %scan3A_116, %scan3A_170 : i32
        %mul3A_172 = arith.constant 16 : i32
        %mul3A_173 = arith.muli %scan3A_171, %mul3A_172 : i32
        %multiple_of3A_174 = tpu.assume_multiple %mul3A_173, 16 : i32
        %swap3A_175 = arith.index_cast %multiple_of3A_174 : i32 to index
        %swap3A_176 = tpu.vector_load %arg8[%swap3A_175] {strides = array<i32>} : memref<50176xf32, #tpu.memory_space<vmem>>, vector<16xf32>,
        tpu.vector_store %arg8[%swap3A_175], %broadcast_in_dim3A_1 {strides = array<i32>} : memref<50176xf32, #tpu.memory_space<vmem>>, vector<16xf32>,
        %scan3A_177 = arith.constant 9 : i32
        %scan3A_178 = arith.addi %scan3A_116, %scan3A_177 : i32
        %mul3A_179 = arith.constant 16 : i32
        %mul3A_180 = arith.muli %scan3A_178, %mul3A_179 : i32
        %multiple_of3A_181 = tpu.assume_multiple %mul3A_180, 16 : i32
        %swap3A_182 = arith.index_cast %multiple_of3A_181 : i32 to index
        %swap3A_183 = tpu.vector_load %arg8[%swap3A_182] {strides = array<i32>} : memref<50176xf32, #tpu.memory_space<vmem>>, vector<16xf32>,
        tpu.vector_store %arg8[%swap3A_182], %broadcast_in_dim3A_1 {strides = array<i32>} : memref<50176xf32, #tpu.memory_space<vmem>>, vector<16xf32>,
        %scan3A_184 = arith.constant 10 : i32
        %scan3A_185 = arith.addi %scan3A_116, %scan3A_184 : i32
        %mul3A_186 = arith.constant 16 : i32
        %mul3A_187 = arith.muli %scan3A_185, %mul3A_186 : i32
        %multiple_of3A_188 = tpu.assume_multiple %mul3A_187, 16 : i32
        %swap3A_189 = arith.index_cast %multiple_of3A_188 : i32 to index
        %swap3A_190 = tpu.vector_load %arg8[%swap3A_189] {strides = array<i32>} : memref<50176xf32, #tpu.memory_space<vmem>>, vector<16xf32>,
        tpu.vector_store %arg8[%swap3A_189], %broadcast_in_dim3A_1 {strides = array<i32>} : memref<50176xf32, #tpu.memory_space<vmem>>, vector<16xf32>,
        %scan3A_191 = arith.constant 11 : i32
        %scan3A_192 = arith.addi %scan3A_116, %scan3A_191 : i32
        %mul3A_193 = arith.constant 16 : i32
        %mul3A_194 = arith.muli %scan3A_192, %mul3A_193 : i32
        %multiple_of3A_195 = tpu.assume_multiple %mul3A_194, 16 : i32
        %swap3A_196 = arith.index_cast %multiple_of3A_195 : i32 to index
        %swap3A_197 = tpu.vector_load %arg8[%swap3A_196] {strides = array<i32>} : memref<50176xf32, #tpu.memory_space<vmem>>, vector<16xf32>,
        tpu.vector_store %arg8[%swap3A_196], %broadcast_in_dim3A_1 {strides = array<i32>} : memref<50176xf32, #tpu.memory_space<vmem>>, vector<16xf32>,
        %scan3A_198 = arith.constant 12 : i32
        %scan3A_199 = arith.addi %scan3A_116, %scan3A_198 : i32
        %mul3A_200 = arith.constant 16 : i32
        %mul3A_201 = arith.muli %scan3A_199, %mul3A_200 : i32
        %multiple_of3A_202 = tpu.assume_multiple %mul3A_201, 16 : i32
        %swap3A_203 = arith.index_cast %multiple_of3A_202 : i32 to index
        %swap3A_204 = tpu.vector_load %arg8[%swap3A_203] {strides = array<i32>} : memref<50176xf32, #tpu.memory_space<vmem>>, vector<16xf32>,
        tpu.vector_store %arg8[%swap3A_203], %broadcast_in_dim3A_1 {strides = array<i32>} : memref<50176xf32, #tpu.memory_space<vmem>>, vector<16xf32>,
        %scan3A_205 = arith.constant 13 : i32
        %scan3A_206 = arith.addi %scan3A_116, %scan3A_205 : i32
        %mul3A_207 = arith.constant 16 : i32
        %mul3A_208 = arith.muli %scan3A_206, %mul3A_207 : i32
        %multiple_of3A_209 = tpu.assume_multiple %mul3A_208, 16 : i32
        %swap3A_210 = arith.index_cast %multiple_of3A_209 : i32 to index
        %swap3A_211 = tpu.vector_load %arg8[%swap3A_210] {strides = array<i32>} : memref<50176xf32, #tpu.memory_space<vmem>>, vector<16xf32>,
        tpu.vector_store %arg8[%swap3A_210], %broadcast_in_dim3A_1 {strides = array<i32>} : memref<50176xf32, #tpu.memory_space<vmem>>, vector<16xf32>,
        %scan3A_212 = arith.constant 14 : i32
        %scan3A_213 = arith.addi %scan3A_116, %scan3A_212 : i32
        %mul3A_214 = arith.constant 16 : i32
        %mul3A_215 = arith.muli %scan3A_213, %mul3A_214 : i32
        %multiple_of3A_216 = tpu.assume_multiple %mul3A_215, 16 : i32
        %swap3A_217 = arith.index_cast %multiple_of3A_216 : i32 to index
        %swap3A_218 = tpu.vector_load %arg8[%swap3A_217] {strides = array<i32>} : memref<50176xf32, #tpu.memory_space<vmem>>, vector<16xf32>,
        tpu.vector_store %arg8[%swap3A_217], %broadcast_in_dim3A_1 {strides = array<i32>} : memref<50176xf32, #tpu.memory_space<vmem>>, vector<16xf32>,
        %scan3A_219 = arith.constant 15 : i32
        %scan3A_220 = arith.addi %scan3A_116, %scan3A_219 : i32
        %mul3A_221 = arith.constant 16 : i32
        %mul3A_222 = arith.muli %scan3A_220, %mul3A_221 : i32
        %multiple_of3A_223 = tpu.assume_multiple %mul3A_222, 16 : i32
        %swap3A_224 = arith.index_cast %multiple_of3A_223 : i32 to index
        %swap3A_225 = tpu.vector_load %arg8[%swap3A_224] {strides = array<i32>} : memref<50176xf32, #tpu.memory_space<vmem>>, vector<16xf32>,
        tpu.vector_store %arg8[%swap3A_224], %broadcast_in_dim3A_1 {strides = array<i32>} : memref<50176xf32, #tpu.memory_space<vmem>>, vector<16xf32>,
      }
      %scan3A_92 = arith.constant 3136 : i32
      %dma_wait3A_93 = arith.constant 0 : i32
      %dma_wait3A_94 = tpu.memref_slice %arg5[%dma_wait3A_93] : memref<12560xi32, #tpu.memory_space<vmem>> -> memref<12544xi32, #tpu.memory_space<vmem>>
      %dma_wait3A_95 = tpu.memref_slice %arg2[%mul3A_71] : memref<9633792xi32, #tpu.memory_space<hbm>> -> memref<12544xi32, #tpu.memory_space<hbm>>
      %dma_wait3A_96 = arith.constant 0 : i32
      %dma_wait3A_97 = tpu.memref_slice %arg5[%dma_wait3A_96] : memref<12560xi32, #tpu.memory_space<vmem>> -> memref<12544xi32, #tpu.memory_space<vmem>>
      %dma_wait3A_98 = tpu.memref_slice %arg2[%mul3A_71] : memref<9633792xi32, #tpu.memory_space<hbm>> -> memref<12544xi32, #tpu.memory_space<hbm>>
      tpu.wait_dma2 semaphore(%arg9 : memref<!tpu.dma_semaphore, #tpu.memory_space<semaphore_mem>>) src(%dma_wait3A_98 : memref<12544xi32, #tpu.memory_space<hbm>>) dst(%dma_wait3A_97 : memref<12544xi32, #tpu.memory_space<vmem>>)
      %dma_wait3A_99 = tpu.memref_slice %arg3[%mul3A_79] : memref<9633792xf32, #tpu.memory_space<hbm>> -> memref<12544xf32, #tpu.memory_space<hbm>>
      %dma_wait3A_100 = tpu.memref_slice %arg3[%mul3A_79] : memref<9633792xf32, #tpu.memory_space<hbm>> -> memref<12544xf32, #tpu.memory_space<hbm>>
      tpu.wait_dma2 semaphore(%arg9 : memref<!tpu.dma_semaphore, #tpu.memory_space<semaphore_mem>>) src(%dma_wait3A_100 : memref<12544xf32, #tpu.memory_space<hbm>>) dst(%arg6 : memref<12544xf32, #tpu.memory_space<vmem>>)
      %swap3A_101 = arith.constant 12544 : index
      %swap3A_102 = tpu.vector_load %arg5[%swap3A_101] {strides = array<i32>} : memref<12560xi32, #tpu.memory_space<vmem>>, vector<16xi32>,
      tpu.vector_store %arg5[%swap3A_101], %broadcast_in_dim3A_3 {strides = array<i32>} : memref<12560xi32, #tpu.memory_space<vmem>>, vector<16xi32>,
      %mul3A_103 = arith.constant 50176 : i32
      %mul3A_104 = arith.muli %add3A_65, %mul3A_103 : i32
      %scan3A_105 = arith.constant 0 : i32
      %scan3A_106 = arith.constant 0 : i32
      %scan3A_107 = arith.constant 784 : i32
      %scan3A_108 = arith.addi %scan3A_106, %scan3A_107 : i32
      %scan3A_109 = arith.constant 8 : i32
      scf.for %scan3A_116 = %scan3A_106 to %scan3A_108 step %scan3A_109  : i32 {
        %mul3A_117 = arith.constant 16 : i32
        %mul3A_118 = arith.muli %scan3A_116, %mul3A_117 : i32
        %multiple_of3A = tpu.assume_multiple %mul3A_118, 16 : i32
        %get3A = arith.index_cast %multiple_of3A : i32 to index
        %get3A_119 = tpu.vector_load %arg5[%get3A] {strides = array<i32>} : memref<12560xi32, #tpu.memory_space<vmem>>, vector<16xi32>,
        %mul3A_120 = arith.constant 16 : i32
        %mul3A_121 = arith.muli %scan3A_116, %mul3A_120 : i32
        %add3A_122 = arith.constant 1 : i32
        %add3A_123 = arith.addi %mul3A_121, %add3A_122 : i32
        %get3A_124 = arith.index_cast %add3A_123 : i32 to index
        %get3A_125 = tpu.vector_load %arg5[%get3A_124] {strides = array<i32>} : memref<12560xi32, #tpu.memory_space<vmem>>, vector<16xi32>,
        %get3A_126 = arith.index_cast %multiple_of3A : i32 to index
        %get3A_127 = tpu.vector_load %arg6[%get3A_126] {strides = array<i32>} : memref<12544xf32, #tpu.memory_space<vmem>>, vector<16xf32>,
        %ne3A = arith.cmpi ne, %get3A_119, %get3A_125 : vector<16xi32>
        %sub3A = vector.broadcast %mul3A_104 : i32 to vector<16xi32>
        %sub3A_128 = arith.subi %get3A_119, %sub3A : vector<16xi32>
        tpu.vector_store_idx %arg8[%sub3A_128], %get3A_127 masked %ne3A : memref<50176xf32, #tpu.memory_space<vmem>>[vector<16xi32>], vector<16xf32>, vector<16xi1>
        %scan3A_129 = arith.constant 1 : i32
        %scan3A_130 = arith.addi %scan3A_116, %scan3A_129 : i32
        %mul3A_131 = arith.constant 16 : i32
        %mul3A_132 = arith.muli %scan3A_130, %mul3A_131 : i32
        %multiple_of3A_133 = tpu.assume_multiple %mul3A_132, 16 : i32
        %get3A_134 = arith.index_cast %multiple_of3A_133 : i32 to index
        %get3A_135 = tpu.vector_load %arg5[%get3A_134] {strides = array<i32>} : memref<12560xi32, #tpu.memory_space<vmem>>, vector<16xi32>,
        %mul3A_136 = arith.constant 16 : i32
        %mul3A_137 = arith.muli %scan3A_130, %mul3A_136 : i32
        %add3A_138 = arith.constant 1 : i32
        %add3A_139 = arith.addi %mul3A_137, %add3A_138 : i32
        %get3A_140 = arith.index_cast %add3A_139 : i32 to index
        %get3A_141 = tpu.vector_load %arg5[%get3A_140] {strides = array<i32>} : memref<12560xi32, #tpu.memory_space<vmem>>, vector<16xi32>,
        %get3A_142 = arith.index_cast %multiple_of3A_133 : i32 to index
        %get3A_143 = tpu.vector_load %arg6[%get3A_142] {strides = array<i32>} : memref<12544xf32, #tpu.memory_space<vmem>>, vector<16xf32>,
        %ne3A_144 = arith.cmpi ne, %get3A_135, %get3A_141 : vector<16xi32>
        %sub3A_145 = vector.broadcast %mul3A_104 : i32 to vector<16xi32>
        %sub3A_146 = arith.subi %get3A_135, %sub3A_145 : vector<16xi32>
        tpu.vector_store_idx %arg8[%sub3A_146], %get3A_143 masked %ne3A_144 : memref<50176xf32, #tpu.memory_space<vmem>>[vector<16xi32>], vector<16xf32>, vector<16xi1>
        %scan3A_147 = arith.constant 2 : i32
        %scan3A_148 = arith.addi %scan3A_116, %scan3A_147 : i32
        %mul3A_149 = arith.constant 16 : i32
        %mul3A_150 = arith.muli %scan3A_148, %mul3A_149 : i32
        %multiple_of3A_151 = tpu.assume_multiple %mul3A_150, 16 : i32
        %get3A_152 = arith.index_cast %multiple_of3A_151 : i32 to index
        %get3A_153 = tpu.vector_load %arg5[%get3A_152] {strides = array<i32>} : memref<12560xi32, #tpu.memory_space<vmem>>, vector<16xi32>,
        %mul3A_154 = arith.constant 16 : i32
        %mul3A_155 = arith.muli %scan3A_148, %mul3A_154 : i32
        %add3A_156 = arith.constant 1 : i32
        %add3A_157 = arith.addi %mul3A_155, %add3A_156 : i32
        %get3A_158 = arith.index_cast %add3A_157 : i32 to index
        %get3A_159 = tpu.vector_load %arg5[%get3A_158] {strides = array<i32>} : memref<12560xi32, #tpu.memory_space<vmem>>, vector<16xi32>,
        %get3A_160 = arith.index_cast %multiple_of3A_151 : i32 to index
        %get3A_161 = tpu.vector_load %arg6[%get3A_160] {strides = array<i32>} : memref<12544xf32, #tpu.memory_space<vmem>>, vector<16xf32>,
        %ne3A_162 = arith.cmpi ne, %get3A_153, %get3A_159 : vector<16xi32>
        %sub3A_163 = vector.broadcast %mul3A_104 : i32 to vector<16xi32>
        %sub3A_164 = arith.subi %get3A_153, %sub3A_163 : vector<16xi32>
        tpu.vector_store_idx %arg8[%sub3A_164], %get3A_161 masked %ne3A_162 : memref<50176xf32, #tpu.memory_space<vmem>>[vector<16xi32>], vector<16xf32>, vector<16xi1>
        %scan3A_165 = arith.constant 3 : i32
        %scan3A_166 = arith.addi %scan3A_116, %scan3A_165 : i32
        %mul3A_167 = arith.constant 16 : i32
        %mul3A_168 = arith.muli %scan3A_166, %mul3A_167 : i32
        %multiple_of3A_169 = tpu.assume_multiple %mul3A_168, 16 : i32
        %get3A_170 = arith.index_cast %multiple_of3A_169 : i32 to index
        %get3A_171 = tpu.vector_load %arg5[%get3A_170] {strides = array<i32>} : memref<12560xi32, #tpu.memory_space<vmem>>, vector<16xi32>,
        %mul3A_172 = arith.constant 16 : i32
        %mul3A_173 = arith.muli %scan3A_166, %mul3A_172 : i32
        %add3A_174 = arith.constant 1 : i32
        %add3A_175 = arith.addi %mul3A_173, %add3A_174 : i32
        %get3A_176 = arith.index_cast %add3A_175 : i32 to index
        %get3A_177 = tpu.vector_load %arg5[%get3A_176] {strides = array<i32>} : memref<12560xi32, #tpu.memory_space<vmem>>, vector<16xi32>,
        %get3A_178 = arith.index_cast %multiple_of3A_169 : i32 to index
        %get3A_179 = tpu.vector_load %arg6[%get3A_178] {strides = array<i32>} : memref<12544xf32, #tpu.memory_space<vmem>>, vector<16xf32>,
        %ne3A_180 = arith.cmpi ne, %get3A_171, %get3A_177 : vector<16xi32>
        %sub3A_181 = vector.broadcast %mul3A_104 : i32 to vector<16xi32>
        %sub3A_182 = arith.subi %get3A_171, %sub3A_181 : vector<16xi32>
        tpu.vector_store_idx %arg8[%sub3A_182], %get3A_179 masked %ne3A_180 : memref<50176xf32, #tpu.memory_space<vmem>>[vector<16xi32>], vector<16xf32>, vector<16xi1>
        %scan3A_183 = arith.constant 4 : i32
        %scan3A_184 = arith.addi %scan3A_116, %scan3A_183 : i32
        %mul3A_185 = arith.constant 16 : i32
        %mul3A_186 = arith.muli %scan3A_184, %mul3A_185 : i32
        %multiple_of3A_187 = tpu.assume_multiple %mul3A_186, 16 : i32
        %get3A_188 = arith.index_cast %multiple_of3A_187 : i32 to index
        %get3A_189 = tpu.vector_load %arg5[%get3A_188] {strides = array<i32>} : memref<12560xi32, #tpu.memory_space<vmem>>, vector<16xi32>,
        %mul3A_190 = arith.constant 16 : i32
        %mul3A_191 = arith.muli %scan3A_184, %mul3A_190 : i32
        %add3A_192 = arith.constant 1 : i32
        %add3A_193 = arith.addi %mul3A_191, %add3A_192 : i32
        %get3A_194 = arith.index_cast %add3A_193 : i32 to index
        %get3A_195 = tpu.vector_load %arg5[%get3A_194] {strides = array<i32>} : memref<12560xi32, #tpu.memory_space<vmem>>, vector<16xi32>,
        %get3A_196 = arith.index_cast %multiple_of3A_187 : i32 to index
        %get3A_197 = tpu.vector_load %arg6[%get3A_196] {strides = array<i32>} : memref<12544xf32, #tpu.memory_space<vmem>>, vector<16xf32>,
        %ne3A_198 = arith.cmpi ne, %get3A_189, %get3A_195 : vector<16xi32>
        %sub3A_199 = vector.broadcast %mul3A_104 : i32 to vector<16xi32>
        %sub3A_200 = arith.subi %get3A_189, %sub3A_199 : vector<16xi32>
        tpu.vector_store_idx %arg8[%sub3A_200], %get3A_197 masked %ne3A_198 : memref<50176xf32, #tpu.memory_space<vmem>>[vector<16xi32>], vector<16xf32>, vector<16xi1>
        %scan3A_201 = arith.constant 5 : i32
        %scan3A_202 = arith.addi %scan3A_116, %scan3A_201 : i32
        %mul3A_203 = arith.constant 16 : i32
        %mul3A_204 = arith.muli %scan3A_202, %mul3A_203 : i32
        %multiple_of3A_205 = tpu.assume_multiple %mul3A_204, 16 : i32
        %get3A_206 = arith.index_cast %multiple_of3A_205 : i32 to index
        %get3A_207 = tpu.vector_load %arg5[%get3A_206] {strides = array<i32>} : memref<12560xi32, #tpu.memory_space<vmem>>, vector<16xi32>,
        %mul3A_208 = arith.constant 16 : i32
        %mul3A_209 = arith.muli %scan3A_202, %mul3A_208 : i32
        %add3A_210 = arith.constant 1 : i32
        %add3A_211 = arith.addi %mul3A_209, %add3A_210 : i32
        %get3A_212 = arith.index_cast %add3A_211 : i32 to index
        %get3A_213 = tpu.vector_load %arg5[%get3A_212] {strides = array<i32>} : memref<12560xi32, #tpu.memory_space<vmem>>, vector<16xi32>,
        %get3A_214 = arith.index_cast %multiple_of3A_205 : i32 to index
        %get3A_215 = tpu.vector_load %arg6[%get3A_214] {strides = array<i32>} : memref<12544xf32, #tpu.memory_space<vmem>>, vector<16xf32>,
        %ne3A_216 = arith.cmpi ne, %get3A_207, %get3A_213 : vector<16xi32>
        %sub3A_217 = vector.broadcast %mul3A_104 : i32 to vector<16xi32>
        %sub3A_218 = arith.subi %get3A_207, %sub3A_217 : vector<16xi32>
        tpu.vector_store_idx %arg8[%sub3A_218], %get3A_215 masked %ne3A_216 : memref<50176xf32, #tpu.memory_space<vmem>>[vector<16xi32>], vector<16xf32>, vector<16xi1>
        %scan3A_219 = arith.constant 6 : i32
        %scan3A_220 = arith.addi %scan3A_116, %scan3A_219 : i32
        %mul3A_221 = arith.constant 16 : i32
        %mul3A_222 = arith.muli %scan3A_220, %mul3A_221 : i32
        %multiple_of3A_223 = tpu.assume_multiple %mul3A_222, 16 : i32
        %get3A_224 = arith.index_cast %multiple_of3A_223 : i32 to index
        %get3A_225 = tpu.vector_load %arg5[%get3A_224] {strides = array<i32>} : memref<12560xi32, #tpu.memory_space<vmem>>, vector<16xi32>,
        %mul3A_226 = arith.constant 16 : i32
        %mul3A_227 = arith.muli %scan3A_220, %mul3A_226 : i32
        %add3A_228 = arith.constant 1 : i32
        %add3A_229 = arith.addi %mul3A_227, %add3A_228 : i32
        %get3A_230 = arith.index_cast %add3A_229 : i32 to index
        %get3A_231 = tpu.vector_load %arg5[%get3A_230] {strides = array<i32>} : memref<12560xi32, #tpu.memory_space<vmem>>, vector<16xi32>,
        %get3A_232 = arith.index_cast %multiple_of3A_223 : i32 to index
        %get3A_233 = tpu.vector_load %arg6[%get3A_232] {strides = array<i32>} : memref<12544xf32, #tpu.memory_space<vmem>>, vector<16xf32>,
        %ne3A_234 = arith.cmpi ne, %get3A_225, %get3A_231 : vector<16xi32>
        %sub3A_235 = vector.broadcast %mul3A_104 : i32 to vector<16xi32>
        %sub3A_236 = arith.subi %get3A_225, %sub3A_235 : vector<16xi32>
        tpu.vector_store_idx %arg8[%sub3A_236], %get3A_233 masked %ne3A_234 : memref<50176xf32, #tpu.memory_space<vmem>>[vector<16xi32>], vector<16xf32>, vector<16xi1>
        %scan3A_237 = arith.constant 7 : i32
        %scan3A_238 = arith.addi %scan3A_116, %scan3A_237 : i32
        %mul3A_239 = arith.constant 16 : i32
        %mul3A_240 = arith.muli %scan3A_238, %mul3A_239 : i32
        %multiple_of3A_241 = tpu.assume_multiple %mul3A_240, 16 : i32
        %get3A_242 = arith.index_cast %multiple_of3A_241 : i32 to index
        %get3A_243 = tpu.vector_load %arg5[%get3A_242] {strides = array<i32>} : memref<12560xi32, #tpu.memory_space<vmem>>, vector<16xi32>,
        %mul3A_244 = arith.constant 16 : i32
        %mul3A_245 = arith.muli %scan3A_238, %mul3A_244 : i32
        %add3A_246 = arith.constant 1 : i32
        %add3A_247 = arith.addi %mul3A_245, %add3A_246 : i32
        %get3A_248 = arith.index_cast %add3A_247 : i32 to index
        %get3A_249 = tpu.vector_load %arg5[%get3A_248] {strides = array<i32>} : memref<12560xi32, #tpu.memory_space<vmem>>, vector<16xi32>,
        %get3A_250 = arith.index_cast %multiple_of3A_241 : i32 to index
        %get3A_251 = tpu.vector_load %arg6[%get3A_250] {strides = array<i32>} : memref<12544xf32, #tpu.memory_space<vmem>>, vector<16xf32>,
        %ne3A_252 = arith.cmpi ne, %get3A_243, %get3A_249 : vector<16xi32>
        %sub3A_253 = vector.broadcast %mul3A_104 : i32 to vector<16xi32>
        %sub3A_254 = arith.subi %get3A_243, %sub3A_253 : vector<16xi32>
        tpu.vector_store_idx %arg8[%sub3A_254], %get3A_251 masked %ne3A_252 : memref<50176xf32, #tpu.memory_space<vmem>>[vector<16xi32>], vector<16xf32>, vector<16xi1>
      }
      %scan3A_110 = arith.constant 784 : i32
      %dma_start3A_111 = tpu.memref_slice %arg4[%mul3A_104] : memref<38535168xf32, #tpu.memory_space<hbm>> -> memref<50176xf32, #tpu.memory_space<hbm>>
      %dma_start3A_112 = tpu.memref_slice %arg4[%mul3A_104] : memref<38535168xf32, #tpu.memory_space<hbm>> -> memref<50176xf32, #tpu.memory_space<hbm>>
      tpu.enqueue_dma source(%arg8 : memref<50176xf32, #tpu.memory_space<vmem>>) target(%dma_start3A_112 : memref<50176xf32, #tpu.memory_space<hbm>>) target_semaphore(%arg11 : memref<!tpu.dma_semaphore, #tpu.memory_space<semaphore_mem>>)
      %convert_element_type3A_113 = arith.extui %ge3A_69 : i1 to i32
      %cond3A_114 = arith.constant 0 : i32
      %cond3A_115 = arith.cmpi ne, %convert_element_type3A_113, %cond3A_114 : i32
      scf.if %cond3A_115 {
        %dma_wait3A_116 = tpu.memref_slice %arg4[%mul3A_104] : memref<38535168xf32, #tpu.memory_space<hbm>> -> memref<50176xf32, #tpu.memory_space<hbm>>
        %dma_wait3A_117 = tpu.memref_slice %arg4[%mul3A_104] : memref<38535168xf32, #tpu.memory_space<hbm>> -> memref<50176xf32, #tpu.memory_space<hbm>>
        tpu.wait_dma2 semaphore(%arg11 : memref<!tpu.dma_semaphore, #tpu.memory_space<semaphore_mem>>) src(%arg8 : memref<50176xf32, #tpu.memory_space<vmem>>) dst(%dma_wait3A_117 : memref<50176xf32, #tpu.memory_space<hbm>>)
      } else {
      }
    }
    %scan3A_8 = arith.constant 12 : i32
    return
  }
}

</mosaic_0001>

<sc_bundles>
// kernel: kernel.3.cloned.1.call-start
scs
__scs_entry_jumppad:
0x0: {  	(pc) =	sbr.rel $0x88, $3  }
0x1: {  	(tag) =	ssettag $0x0;
	lr =	simm.s32 $0x1  }
0x2: {  	[smem:$0x3F9F] =	sst lr;
	_ =	strace $0xD0000000  }
0x3: {  	_ = 	snop  }
0x4: {  	_ = 	snop  }
0x5: {  	_ = 	snop  }
0x6: {  	_ = 	snop  }
0x7: {  	_ = 	snop  }
__scs_overlays_trampoline_lowered:
0x8: {  	[smem:$0x3FAE] =	sst s0  }
0x9: {  	[smem:$0x3FAF] =	sst s1  }
0xa: {  	[smem:$0x3FB0] =	sst s2  }
0xb: {  	[smem:$0x3FB1] =	sst s3  }
0xc: {  	[smem:$0x3FB2] =	sst s4  }
0xd: {  	[smem:$0x3FB3] =	sst s5  }
0xe: {  	[smem:$0x3FB4] =	sst s6  }
0xf: {  	[smem:$0x3FB5] =	sst s7  }
0x10: {  	[smem:$0x3FB6] =	sst s8  }
0x11: {  	[smem:$0x3FB7] =	sst s9;
	s0 =	simm.s32 @!p0 $0x0  }
0x12: {  	s1 =	sld [smem:$0x3F9D];
	s0 =	simm.s32 @p0 $0x1  }
0x13: {  	[smem:$0x3FB8] =	sst s0;
	s0 =	simm.s32 @!p1 $0x0  }
0x14: {  	s2 =	sld [smem:$0x3F9C];
	s0 =	simm.s32 @p1 $0x1  }
0x15: {  	[smem:$0x3FB9] =	sst s0;
	s0 =	simm.s32 @!p2 $0x0  }
0x16: {  	s3 =	sld [smem:$0x3FDB];
	s0 =	simm.s32 @p2 $0x1  }
0x17: {  	s4 =	simm.s32 $0x1BF5;
	[smem:$0x3FBB] =	sst s0  }
0x18: {  	s0 =	sld [smem:$0x3F9E];
	_ =	swait.ge [sflag:s4], $0x0  }
0x19: {  	s7 =	sld [smem:$0x3F9F]  }
0x1a: {  	s8 =	sadd.s32 $0xFFFFE003, lr  }
0x1b: {  	s9 =	sadd.s32 $0xFFFFFEF7, lr;
	s5 =	simm.s32 $0xFFFFFFFF;
	p2 =	slt.u32 s8, $0xFFFFF086  }
0x1c: {  	p1 =	slt.u32 s9, $0xF7A;
	s5 =	simm.s32 @!p2 $0x0  }
0x1d: {  	s5 =	simm.s32 @p1 $0x1;
	p0 =	seq.s32 s7, s2  }
0x1e: {  	s7 =	smul.u32 @!p0 $0xF7A, s2;
	p2 =	seq.s32 @!p0 s5, $0x0  }
0x1f: {  	s9 =	smul.u32 $0xF7A, s1;
	s8 =	simm.s32 @!p0 $0x1BF5;
	p2 =	por !p2, p0  }
0x20: {  	[sflag:s8] =	ssyncset.s32 @!p0 $0xFFFFF086;
	s6 =	sadd.s32 @!p0 s3, s7;
	s7 =	simm.s32 @!p0 $0x108  }
0x21: {  	s3 =	sadd.s32 s3, s9;
	s6 =	sadd.s32 @!p0 $0x88, s6;
	s7 =	simm.s32 @p2 $0x1082  }
0x22: {  	[simem:s7], [sflag:s8] =	dma.local @!p0 [hbm:s6], $0xF7A  }
0x23: {  	s9 =	sor.u32 $0xD0000000, s2;
	s6 =	simm.s32 $0x108;
	_ =	swait.ge @!p0 [sflag:s8], $0x0  }
0x24: {  	s3 =	sadd.s32 $0x88, s3;
	s6 =	simm.s32 @!p1 $0x1082;
	[sflag:s4] =	ssyncset.s32 $0xFFFFF086  }
0x25: {  	[simem:s6], [sflag:s4] =	dma.local [hbm:s3], $0xF7A  }
0x26: {  	[smem:$0x3F9F] =	sst s1;
	(tag) =	ssettag s2;
	_ =	strace s9  }
0x27: {  	s1 =	sld [smem:$0x3FAF]  }
0x28: {  	s2 =	sld [smem:$0x3FB0]  }
0x29: {  	s4 =	sld [smem:$0x3FB2]  }
0x2a: {  	p0 =	seq.s32 s5, $0x0;
	s5 =	sld [smem:$0x3FB3]  }
0x2b: {  	s6 =	sld [smem:$0x3FB4]  }
0x2c: {  	s7 =	sld [smem:$0x3FB5]  }
0x2d: {  	s3 =	simm.s32 $0x108;
	s8 =	sld [smem:$0x3FB6]  }
0x2e: {  	s3 =	simm.s32 @!p0 $0x1082;
	s9 =	sld [smem:$0x3FB7]  }
0x2f: {  	lr =	sadd.s32 s0, s3;
	s0 =	sld [smem:$0x3FAE]  }
0x30: {  	s3 =	sld [smem:$0x3FB1]  }
0x31: {  	[smem:$0x3FBA] =	sst s10  }
0x32: {  	s10 =	sld [smem:$0x3FB8];
	_ =	sdelay $0x3  }
0x33: {  	p0 =	seq.s32 s10, $0x1;
	s10 =	sld [smem:$0x3FBA];
	_ =	sdelay $0x3  }
0x34: {  	[smem:$0x3FBA] =	sst s10  }
0x35: {  	s10 =	sld [smem:$0x3FB9];
	_ =	sdelay $0x3  }
0x36: {  	p1 =	seq.s32 s10, $0x1;
	s10 =	sld [smem:$0x3FBA];
	_ =	sdelay $0x3  }
0x37: {  	[smem:$0x3FBA] =	sst s10  }
0x38: {  	s10 =	sld [smem:$0x3FBB]  }
0x39: {  	_ = 	snop;
	(pc) =	sbr.ind lr, $3  }
0x3a: {  	_ = 	snop  }
0x3b: {  	_ = 	snop  }
0x3c: {  	p2 =	seq.s32 s10, $0x1;
	s10 =	sld [smem:$0x3FBA]  }
0x3d: {  	_ =	shalt  }
0x3e: {  	_ =	shalt  }
0x3f: {  	_ =	shalt  }
0x40: {  	_ =	shalt  }
0x41: {  	_ =	shalt  }
0x42: {  	_ =	shalt  }
0x43: {  	_ =	shalt  }
0x44: {  	_ =	shalt  }
0x45: {  	_ =	shalt  }
0x46: {  	_ =	shalt  }
0x47: {  	_ =	shalt  }
0x48: {  	_ =	shalt  }
0x49: {  	_ =	shalt  }
0x4a: {  	_ =	shalt  }
0x4b: {  	_ =	shalt  }
0x4c: {  	_ =	shalt  }
0x4d: {  	_ =	shalt  }
0x4e: {  	_ =	shalt  }
0x4f: {  	_ =	shalt  }
0x50: {  	_ =	shalt  }
0x51: {  	_ =	shalt  }
0x52: {  	_ =	shalt  }
0x53: {  	_ =	shalt  }
0x54: {  	_ =	shalt  }
0x55: {  	_ =	shalt  }
0x56: {  	_ =	shalt  }
0x57: {  	_ =	shalt  }
0x58: {  	_ =	shalt  }
0x59: {  	_ =	shalt  }
0x5a: {  	_ =	shalt  }
0x5b: {  	_ =	shalt  }
0x5c: {  	_ =	shalt  }
0x5d: {  	_ =	shalt  }
0x5e: {  	_ =	shalt  }
0x5f: {  	_ =	shalt  }
0x60: {  	_ =	shalt  }
0x61: {  	_ =	shalt  }
0x62: {  	_ =	shalt  }
0x63: {  	_ =	shalt  }
0x64: {  	_ =	shalt  }
0x65: {  	_ =	shalt  }
0x66: {  	_ =	shalt  }
0x67: {  	_ =	shalt  }
0x68: {  	_ =	shalt  }
0x69: {  	_ =	shalt  }
0x6a: {  	_ =	shalt  }
0x6b: {  	_ =	shalt  }
0x6c: {  	_ =	shalt  }
0x6d: {  	_ =	shalt  }
0x6e: {  	_ =	shalt  }
0x6f: {  	_ =	shalt  }
0x70: {  	_ =	shalt  }
0x71: {  	_ =	shalt  }
0x72: {  	_ =	shalt  }
0x73: {  	_ =	shalt  }
0x74: {  	_ =	shalt  }
0x75: {  	_ =	shalt  }
0x76: {  	_ =	shalt  }
0x77: {  	_ =	shalt  }
0x78: {  	_ =	shalt  }
0x79: {  	_ =	shalt  }
0x7a: {  	_ =	shalt  }
0x7b: {  	_ =	shalt  }
0x7c: {  	_ =	shalt  }
0x7d: {  	_ =	shalt  }
0x7e: {  	_ =	shalt  }
0x7f: {  	_ =	shalt  }
0x80: {  	_ =	shalt  }
0x81: {  	_ =	shalt  }
0x82: {  	_ =	shalt  }
0x83: {  	_ =	shalt  }
0x84: {  	_ =	shalt  }
0x85: {  	_ =	shalt  }
0x86: {  	_ =	shalt  }
0x87: {  	_ =	shalt  }
.Lfunc_end0:
.L_simem_size_0:
called_computation_lowered:
.L_overlay_start_0:
0x88: {  	s2 =	sld [smem:$0x3FD9]  }
0x89: {  	s3 =	sld [smem:$0x3FFE];
	_ =	sdelay $0x1  }
0x8a: {  	s1 =	srdreg.scid  }
0x8b: {  	s0 =	sand.u32 $0x1, s1  }
0x8c: {  	s17 =	sshll.u32 s0, $0xA;
	s2 =	sadd.s32 s3, s2  }
0x8d: {  	s2 =	sadd.s32 s2, s17  }
0x8e: {  	[smem:$0x3FC6] =	sst s2  }
0x8f: {  	_ = 	snop  }
0x90: {  	s2 =	sld [smem:$0x3FD0];
	(tm) =	ssettm $0x1  }
0x91: {  	s18 =	sld [smem:$0x3FFB];
	_ =	sdelay $0x3  }
0x92: {  	_ =	strace s18  }
0x93: {  	s3 =	sld [smem:$0x3FFC];
	_ =	sdelay $0x3  }
0x94: {  	_ =	strace s3  }
0x95: {  	s3 =	sld [smem:$0x3FFD];
	_ =	sdelay $0x3  }
0x96: {  	_ =	strace s3  }
0x97: {  	_ =	strace $0x8FFFFFFF  }
0x98: {  	s19 =	sld [smem:$0x3FDB];
	_ =	sdelay $0x1  }
0x99: {  	s4 =	simm.s32 $_scs_section_size  }
0x9a: {  	s5 =	simm.s32 $_size__tile_overlayer_lowered;
	s6 =	simm.s32 $_tile_overlayer_lowered  }
0x9b: {  	s22 =	simm.s32 $0x1BFF;
	s21 =	sshll.u32 s6, $0x1;
	s3 =	sadd.s32 s4, s19  }
0x9c: {  	s7 =	simm.s32 $0x0;
	s20 =	sshll.u32 s5, $0x1;
	s5 =	sadd.s32 s21, s3  }
0x9d: {  	[timem:s7], [sflag:s22] =	dma.local [hbm:s5], s20  }
0x9e: {  	_ =	swait.ge [sflag:s22], s20  }
0x9f: {  	s4 =	ssub.s32 $0x0, s20;
	[sflag:s22] =	ssyncset.done $0x0  }
0xa0: {  	[sflag:s22] =	ssyncadd.s32 s4;
	_ =	sdelay $0x1  }
0xa1: {  	s23 =	simm.s32 $0x1B8B  }
0xa2: {  	_ =	swait.ge [sflag:s23], $0x1  }
0xa3: {  	[sflag:s23] =	ssyncset.done $0x0  }
0xa4: {  	s25 =	simm.s32 $0x1B8E;
	s24 =	sld [smem:$0x3FFE];
	[sflag:s23] =	ssyncadd.s32 $0xFFFFFFFF  }
0xa5: {  	s26 =	simm.s32 $execute0_lowered;
	[smem:$0x3FD2] =	sst s25  }
0xa6: {  	s5 =	sshll.u32 s26, $0x1;
	_ =	strace $0x80000046;
	[dreg:$0x1] =	wrdreg $0xFFFFFFFF  }
0xa7: {  	s28 =	simm.s32 $_size_execute0_lowered;
	s3 =	sadd.s32 s3, s5;
	[dreg:$0x0] =	wrdreg $0x0  }
0xa8: {  	s5 =	sshll.u32 s28, $0x1;
	[dreg:$0x2] =	wrdreg s3  }
0xa9: {  	[dreg:$0x3] =	wrdreg s5  }
0xaa: {  	[dreg:$0x4] =	wrdreg $0xC0  }
0xab: {  	_ =	task [dreg:s7], $0x5FFFF  }
0xac: {  	[dreg:$0x1] =	wrdreg $0xFFFFFFFF  }
0xad: {  	[dreg:$0x0] =	wrdreg $0x60  }
0xae: {  	[dreg:$0x2] =	wrdreg s2  }
0xaf: {  	[dreg:$0x3] =	wrdreg s24  }
0xb0: {  	[dreg:$0x4] =	wrdreg $0x9  }
0xb1: {  	_ =	task.clear_ibuf [dreg:s7], $0x5FFFF;
	_ =	strace $0x90000046  }
0xb2: {  	s29 =	simm.s32 $0x9;
	_ =	strace $0x80000048  }
0xb3: {  	_ =	swait.ge [sflag:s29], $0x1  }
0xb4: {  	[sflag:s29] =	ssyncadd.s32 $0xFFFFFFFF  }
0xb5: {  	_ =	strace $0x90000048  }
0xb6: {  	_ =	sfence  }
0xb7: {  	s30 =	sld [smem:$0x0];
	_ =	sdelay $0x2  }
0xb8: {  	s31 =	sshll.u32 s1, $0xD;
	s1 =	sshrl.u32 s1, $0x2  }
0xb9: {  	s3 =	sand.u32 $0x4000, s31;
	s1 =	sadd.s32 s1, s30  }
0xba: {  	s0 =	sor.u32 s3, s0;
	s1 =	sshll.u32 s1, $0x11  }
0xbb: {  	s0 =	sor.u32 s1, s0  }
0xbc: {  	s0 =	sadd.s32 $0x8F2B, s0  }
0xbd: {  	[sflag:s0] =	ssyncadd.remote.s32 $0x1  }
0xbe: {  	_ =	sfence.sel $0xFFFF  }
0xbf: {  	[dreg:$0x0] =	wrdreg $0xFFFFFFFF;
	(pc) =	sbr.abs _section_cstart, $3  }
0xc0: {  	[dreg:$0x1] =	wrdreg $0xFFFFFFFF  }
0xc1: {  	_ =	task.clear_ibuf [dreg:s7], $0x2FFFF;
	_ =	strace $0x9FFFFFFF  }
0xc2: {  	(tm) =	ssettm $0x7FFFFFFF  }
0xc3: {  	_ =	shalt  }
tec
execute0_lowered:
.L_overlay_start_1:
0x0: {  	(tag) =	ssettag $0x1  }
0x1: {  	s1 =	rddreg [dreg:$0x0]  }
0x2: {  	s5 =	rddreg [dreg:$0x1];
	s2 =	srdreg.scid  }
0x3: {  	s0 =	rddreg [dreg:$0x2];
	s3 =	simm.s32 $0x0;
	s10 =	simm.s32 $0x6280  }
0x4: {  	s11 =	simm.s32 $0x12680;
	s12 =	simm.s32 $0x3;
	s13 =	simm.s32 $0x0  }
0x5: {  	s6 =	sand.u32 $0x1, s2;
	[smem:$0x7FF] =	sst s3;
	s2 =	stileid.u32  }
0x6: {  	s4 =	sadd.s32 $0x126000, s5;
	s5 =	sadd.s32 $0x24C000, s5;
	s7 =	ssub.s32 $0x2, s6  }
0x7: {  	_ =	strace $0x80000047;
	s9 =	sshll.u32 s2, $0x1;
	s8 =	sshrl.u32 s7, $0x1  }
0x8: {  	s6 =	sor.u32 s6, s9;
	s9 =	simm.s32 $0x1;
	s7 =	ssub.s32 s7, s8  }
0x9: {  	v0 =	vimm.f32 $0.0e+00;
	v1 =	vimm.s32 $0xFFFFFFFF;
	s6 =	smul.u32 $0x18, s6;
	s8 =	simm.s32 $0x3180;
	s7 =	smax.u32 s7, $0x1  }
.LBB2_1:
0xa: {  	s14 =	simm.s32 $0x0  }
.LBB2_2:
0xb: {  	s15 =	sshll.u32 s14, $0x1  }
0xc: {  	s16 =	sadd.s32 s6, s15  }
0xd: {  	s17 =	smul.u32 $0x620, s16;
	_ =	sdelay $0x1  }
0xe: {  	s18 =	sadd.s32 s1, s17  }
0xf: {  	[tilespmem:s3], [sflag:$0x1] =	stream.linear.gather [hbm4b:s18+s3], $0x3100, $0x38;
	[tilespmem:$0x1EA80] =	vst v63  }
0x10: {  	p0 =	seq.s32 s14, $0x0;
	s17 =	sadd.s32 s4, s17  }
0x11: {  	[tilespmem:s8], [sflag:$0x1] =	stream.linear.gather [hbm4b:s17+s3], $0x3100, $0x38;
	[tilespmem:$0x1EA80] =	vst v63  }
0x12: {  	s17 =	simm.s32 @!p0 $0x2  }
0x13: {  	_ =	swait.ge @!p0 [sflag:s17], $0xC400  }
0x14: {  	[sflag:s17] =	ssyncset.done @!p0 $0x0  }
0x15: {  	[sflag:s17] =	ssyncadd.s32 @!p0 $0xFFFF3C00;
	s17 =	simm.s32 $0x6300  }
0x16: {  	[tilespmem:s17+$0xFFFFFF80] =	vst v0  }
0x17: {  	[tilespmem:s17+$0x70] =	vst v0  }
0x18: {  	[tilespmem:s17+$0x60] =	vst v0  }
0x19: {  	[tilespmem:s17+$0x50] =	vst v0  }
0x1a: {  	[tilespmem:s17+$0x40] =	vst v0  }
0x1b: {  	[tilespmem:s17+$0x30] =	vst v0  }
0x1c: {  	[tilespmem:s17+$0x20] =	vst v0  }
0x1d: {  	[tilespmem:s17+$0x10] =	vst v0  }
0x1e: {  	[tilespmem:s17+$0x0] =	vst v0  }
0x1f: {  	[tilespmem:s17+$0xFFFFFFF0] =	vst v0  }
0x20: {  	[tilespmem:s17+$0xFFFFFFE0] =	vst v0  }
0x21: {  	[tilespmem:s17+$0xFFFFFFD0] =	vst v0  }
0x22: {  	[tilespmem:s17+$0xFFFFFFC0] =	vst v0  }
0x23: {  	[tilespmem:s17+$0xFFFFFFB0] =	vst v0  }
0x24: {  	s18 =	simm.s32 $0x0;
	[tilespmem:s17+$0xFFFFFFA0] =	vst v0  }
.LBB2_3:
0x25: {  	s18 =	sadd.s32 $0x10, s18;
	[tilespmem:s17+$0xFFFFFF90] =	vst v0;
	s17 =	sadd.s32 $0x100, s17  }
0x26: {  	[tilespmem:s17+$0xFFFFFF80] =	vst v0;
	p1 =	slt.u32 s18, $0xC30  }
0x27: {  	[tilespmem:s17+$0x70] =	vst v0  }
0x28: {  	[tilespmem:s17+$0x60] =	vst v0  }
0x29: {  	[tilespmem:s17+$0x50] =	vst v0  }
0x2a: {  	[tilespmem:s17+$0x40] =	vst v0  }
0x2b: {  	[tilespmem:s17+$0x30] =	vst v0  }
0x2c: {  	[tilespmem:s17+$0x20] =	vst v0  }
0x2d: {  	[tilespmem:s17+$0x10] =	vst v0  }
0x2e: {  	[tilespmem:s17+$0x0] =	vst v0  }
0x2f: {  	[tilespmem:s17+$0xFFFFFFF0] =	vst v0  }
.Ltmp0:
0x30: {  	[tilespmem:s17+$0xFFFFFFE0] =	vst v0;
	(pc) =	sbr.rel @p1 .LBB2_3-.Ltmp0, $4  }
0x31: {  	[tilespmem:s17+$0xFFFFFFD0] =	vst v0  }
0x32: {  	[tilespmem:s17+$0xFFFFFFC0] =	vst v0  }
0x33: {  	[tilespmem:s17+$0xFFFFFFB0] =	vst v0  }
0x34: {  	[tilespmem:s17+$0xFFFFFFA0] =	vst v0  }
0x35: {  	[tilespmem:s17+$0xFFFFFF90] =	vst v0  }
0x36: {  	_ =	swait.ge [sflag:s9], $0x3100  }
0x37: {  	[sflag:s9] =	ssyncset.done $0x0  }
0x38: {  	[sflag:s9] =	ssyncadd.s32 $0xFFFFCF00  }
0x39: {  	_ =	swait.ge [sflag:s9], $0x3100  }
0x3a: {  	s16 =	smul.u32 $0xC400, s16;
	[sflag:s9] =	ssyncset.done $0x0  }
0x3b: {  	[sflag:s9] =	ssyncadd.s32 $0xFFFFCF00  }
0x3c: {  	s17 =	simm.s32 $0xFFFFFFF8;
	s18 =	simm.s32 $0x40;
	s19 =	simm.s32 $0x31C0;
	v2 =	vmov s16;
	[tilespmem:$0x3100] =	vst v1  }
.LBB2_5:
0x3d: {  	v3 =	vld [tilespmem:s18+$0xFFFFFFC0]  }
0x3e: {  	v4 =	vld [tilespmem:s18+$0xFFFFFFC1];
	_ =	sdelay $0x3  }
0x3f: {  	v5 =	vsub.s32 v3, v2  }
0x40: {  	vm0 =	vne.s32 v3, v4;
	v3 =	vand.u32 $0x7F, v3;
	v34 =	vand.u32 $0xFFFFFF80, v5  }
0x41: {  	v35 =	vld [tilespmem:s19+$0xFFFFFFC0];
	v3 =	vor.u32 v3, v34;
	_ =	sdelay $0x4  }
0x42: {  	[tilespmem:v3+s10+$0x0] =	vst.idx.msk vm0, v35  }
0x43: {  	v3 =	vld [tilespmem:s18+$0xFFFFFFD0]  }
0x44: {  	v36 =	vld [tilespmem:s18+$0xFFFFFFD1];
	_ =	sdelay $0x3  }
0x45: {  	v37 =	vsub.s32 v3, v2  }
0x46: {  	vm9 =	vne.s32 v3, v36;
	v3 =	vand.u32 $0x7F, v3;
	v38 =	vand.u32 $0xFFFFFF80, v37  }
0x47: {  	v39 =	vld [tilespmem:s19+$0xFFFFFFD0];
	v3 =	vor.u32 v3, v38;
	_ =	sdelay $0x4  }
0x48: {  	[tilespmem:v3+s10+$0x0] =	vst.idx.msk vm9, v39  }
0x49: {  	v3 =	vld [tilespmem:s18+$0xFFFFFFE0]  }
0x4a: {  	v40 =	vld [tilespmem:s18+$0xFFFFFFE1];
	_ =	sdelay $0x3  }
0x4b: {  	v41 =	vsub.s32 v3, v2  }
0x4c: {  	vm10 =	vne.s32 v3, v40;
	v3 =	vand.u32 $0x7F, v3;
	v42 =	vand.u32 $0xFFFFFF80, v41  }
0x4d: {  	v43 =	vld [tilespmem:s19+$0xFFFFFFE0];
	v3 =	vor.u32 v3, v42;
	_ =	sdelay $0x4  }
0x4e: {  	[tilespmem:v3+s10+$0x0] =	vst.idx.msk vm10, v43  }
0x4f: {  	v3 =	vld [tilespmem:s18+$0xFFFFFFF0]  }
0x50: {  	v44 =	vld [tilespmem:s18+$0xFFFFFFF1];
	_ =	sdelay $0x3  }
0x51: {  	v45 =	vsub.s32 v3, v2  }
0x52: {  	vm11 =	vne.s32 v3, v44;
	v3 =	vand.u32 $0x7F, v3;
	v46 =	vand.u32 $0xFFFFFF80, v45  }
0x53: {  	v47 =	vld [tilespmem:s19+$0xFFFFFFF0];
	v3 =	vor.u32 v3, v46;
	_ =	sdelay $0x4  }
0x54: {  	[tilespmem:v3+s10+$0x0] =	vst.idx.msk vm11, v47  }
0x55: {  	v3 =	vld [tilespmem:s18+$0x0]  }
0x56: {  	v48 =	vld [tilespmem:s18+$0x1];
	_ =	sdelay $0x3  }
0x57: {  	v49 =	vsub.s32 v3, v2  }
0x58: {  	vm12 =	vne.s32 v3, v48;
	v3 =	vand.u32 $0x7F, v3;
	v50 =	vand.u32 $0xFFFFFF80, v49  }
0x59: {  	v51 =	vld [tilespmem:s19+$0x0];
	v3 =	vor.u32 v3, v50;
	_ =	sdelay $0x4  }
0x5a: {  	[tilespmem:v3+s10+$0x0] =	vst.idx.msk vm12, v51  }
0x5b: {  	v3 =	vld [tilespmem:s18+$0x10]  }
0x5c: {  	v52 =	vld [tilespmem:s18+$0x11];
	_ =	sdelay $0x3  }
0x5d: {  	v53 =	vsub.s32 v3, v2  }
0x5e: {  	vm13 =	vne.s32 v3, v52;
	v3 =	vand.u32 $0x7F, v3;
	v54 =	vand.u32 $0xFFFFFF80, v53  }
0x5f: {  	v55 =	vld [tilespmem:s19+$0x10];
	v3 =	vor.u32 v3, v54;
	_ =	sdelay $0x4  }
0x60: {  	[tilespmem:v3+s10+$0x0] =	vst.idx.msk vm13, v55  }
0x61: {  	v3 =	vld [tilespmem:s18+$0x20]  }
0x62: {  	v56 =	vld [tilespmem:s18+$0x21];
	_ =	sdelay $0x3  }
0x63: {  	v57 =	vsub.s32 v3, v2  }
0x64: {  	vm14 =	vne.s32 v3, v56;
	v3 =	vand.u32 $0x7F, v3;
	v58 =	vand.u32 $0xFFFFFF80, v57  }
0x65: {  	v59 =	vld [tilespmem:s19+$0x20];
	v3 =	vor.u32 v3, v58;
	_ =	sdelay $0x4  }
0x66: {  	[tilespmem:v3+s10+$0x0] =	vst.idx.msk vm14, v59  }
0x67: {  	v3 =	vld [tilespmem:s18+$0x30]  }
0x68: {  	v60 =	vld [tilespmem:s18+$0x31];
	_ =	sdelay $0x3  }
0x69: {  	v61 =	vsub.s32 v3, v2  }
0x6a: {  	s17 =	sadd.s32 $0x8, s17;
	vm15 =	vne.s32 v3, v60;
	v3 =	vand.u32 $0x7F, v3;
	v62 =	vand.u32 $0xFFFFFF80, v61  }
0x6b: {  	p1 =	slt.u32 s17, $0x308;
	v63 =	vld [tilespmem:s19+$0x30];
	v3 =	vor.u32 v3, v62  }
.Ltmp1:
0x6c: {  	_ = 	snop;
	(pc) =	sbr.rel @p1 .LBB2_5-.Ltmp1, $2  }
0x6d: {  	_ =	sdelay $0x2  }
0x6e: {  	s18 =	sadd.s32 $0x80, s18;
	s19 =	sadd.s32 $0x80, s19;
	[tilespmem:v3+s10+$0x0] =	vst.idx.msk vm15, v63  }
0x6f: {  	s16 =	sshrl.u32 s16, $0x3  }
0x70: {  	p1 =	sne.s32 s14, $0xB;
	s15 =	sadd.s32 s15, s6;
	s16 =	sadd.s32 s5, s16  }
0x71: {  	[hbm4b:s16+s3] =	stream.linear.scatter [tilespmem:s10], [sflag:$0x2], $0xC400, $0x38;
	[tilespmem:$0x1EA80] =	vst v63  }
0x72: {  	s15 =	sadd.s32 $0x1, s15;
	s16 =	simm.s32 @!p1 $0x2  }
0x73: {  	s17 =	smul.u32 $0x620, s15;
	_ =	swait.ge @!p1 [sflag:s16], $0xC400  }
0x74: {  	[sflag:s16] =	ssyncset.done @!p1 $0x0  }
0x75: {  	s30 =	sadd.s32 s1, s17;
	[sflag:s16] =	ssyncadd.s32 @!p1 $0xFFFF3C00  }
0x76: {  	[tilespmem:s3], [sflag:$0x1] =	stream.linear.gather [hbm4b:s30+s3], $0x3100, $0x38;
	[tilespmem:$0x1EA80] =	vst v63  }
0x77: {  	s31 =	sadd.s32 s4, s17;
	s16 =	simm.s32 @!p0 $0x3  }
0x78: {  	[tilespmem:s8], [sflag:$0x1] =	stream.linear.gather [hbm4b:s31+s3], $0x3100, $0x38;
	[tilespmem:$0x1EA80] =	vst v63  }
0x79: {  	_ =	swait.ge @!p0 [sflag:s16], $0xC400  }
0x7a: {  	[sflag:s16] =	ssyncset.done @!p0 $0x0  }
0x7b: {  	[sflag:s16] =	ssyncadd.s32 @!p0 $0xFFFF3C00;
	s16 =	simm.s32 $0x12700  }
0x7c: {  	[tilespmem:s16+$0xFFFFFF80] =	vst v0  }
0x7d: {  	[tilespmem:s16+$0x70] =	vst v0  }
0x7e: {  	[tilespmem:s16+$0x60] =	vst v0  }
0x7f: {  	[tilespmem:s16+$0x50] =	vst v0  }
0x80: {  	[tilespmem:s16+$0x40] =	vst v0  }
0x81: {  	[tilespmem:s16+$0x30] =	vst v0  }
0x82: {  	[tilespmem:s16+$0x20] =	vst v0  }
0x83: {  	[tilespmem:s16+$0x10] =	vst v0  }
0x84: {  	[tilespmem:s16+$0x0] =	vst v0  }
0x85: {  	[tilespmem:s16+$0xFFFFFFF0] =	vst v0  }
0x86: {  	[tilespmem:s16+$0xFFFFFFE0] =	vst v0  }
0x87: {  	[tilespmem:s16+$0xFFFFFFD0] =	vst v0  }
0x88: {  	[tilespmem:s16+$0xFFFFFFC0] =	vst v0  }
0x89: {  	[tilespmem:s16+$0xFFFFFFB0] =	vst v0  }
0x8a: {  	s17 =	simm.s32 $0x0;
	[tilespmem:s16+$0xFFFFFFA0] =	vst v0  }
.LBB2_7:
0x8b: {  	s17 =	sadd.s32 $0x10, s17;
	[tilespmem:s16+$0xFFFFFF90] =	vst v0;
	s16 =	sadd.s32 $0x100, s16  }
0x8c: {  	[tilespmem:s16+$0xFFFFFF80] =	vst v0;
	p0 =	slt.u32 s17, $0xC30  }
0x8d: {  	[tilespmem:s16+$0x70] =	vst v0  }
0x8e: {  	[tilespmem:s16+$0x60] =	vst v0  }
0x8f: {  	[tilespmem:s16+$0x50] =	vst v0  }
0x90: {  	[tilespmem:s16+$0x40] =	vst v0  }
0x91: {  	[tilespmem:s16+$0x30] =	vst v0  }
0x92: {  	[tilespmem:s16+$0x20] =	vst v0  }
0x93: {  	[tilespmem:s16+$0x10] =	vst v0  }
0x94: {  	[tilespmem:s16+$0x0] =	vst v0  }
0x95: {  	[tilespmem:s16+$0xFFFFFFF0] =	vst v0  }
.Ltmp2:
0x96: {  	[tilespmem:s16+$0xFFFFFFE0] =	vst v0;
	(pc) =	sbr.rel @p0 .LBB2_7-.Ltmp2, $4  }
0x97: {  	[tilespmem:s16+$0xFFFFFFD0] =	vst v0  }
0x98: {  	[tilespmem:s16+$0xFFFFFFC0] =	vst v0  }
0x99: {  	[tilespmem:s16+$0xFFFFFFB0] =	vst v0  }
0x9a: {  	[tilespmem:s16+$0xFFFFFFA0] =	vst v0  }
0x9b: {  	[tilespmem:s16+$0xFFFFFF90] =	vst v0  }
0x9c: {  	_ =	swait.ge [sflag:s9], $0x3100  }
0x9d: {  	[sflag:s9] =	ssyncset.done $0x0  }
0x9e: {  	[sflag:s9] =	ssyncadd.s32 $0xFFFFCF00  }
0x9f: {  	_ =	swait.ge [sflag:s9], $0x3100  }
0xa0: {  	s15 =	smul.u32 $0xC400, s15;
	[sflag:s9] =	ssyncset.done $0x0  }
0xa1: {  	[sflag:s9] =	ssyncadd.s32 $0xFFFFCF00  }
0xa2: {  	s16 =	simm.s32 $0xFFFFFFF8;
	s17 =	simm.s32 $0x40;
	s18 =	simm.s32 $0x31C0;
	v2 =	vmov s15;
	[tilespmem:$0x3100] =	vst v1  }
.LBB2_9:
0xa3: {  	v3 =	vld [tilespmem:s17+$0xFFFFFFC0]  }
0xa4: {  	v4 =	vld [tilespmem:s17+$0xFFFFFFC1];
	_ =	sdelay $0x3  }
0xa5: {  	v5 =	vsub.s32 v3, v2  }
0xa6: {  	vm0 =	vne.s32 v3, v4;
	v3 =	vand.u32 $0x7F, v3;
	v34 =	vand.u32 $0xFFFFFF80, v5  }
0xa7: {  	v35 =	vld [tilespmem:s18+$0xFFFFFFC0];
	v3 =	vor.u32 v3, v34;
	_ =	sdelay $0x4  }
0xa8: {  	[tilespmem:v3+s11+$0x0] =	vst.idx.msk vm0, v35  }
0xa9: {  	v3 =	vld [tilespmem:s17+$0xFFFFFFD0]  }
0xaa: {  	v36 =	vld [tilespmem:s17+$0xFFFFFFD1];
	_ =	sdelay $0x3  }
0xab: {  	v37 =	vsub.s32 v3, v2  }
0xac: {  	vm9 =	vne.s32 v3, v36;
	v3 =	vand.u32 $0x7F, v3;
	v38 =	vand.u32 $0xFFFFFF80, v37  }
0xad: {  	v39 =	vld [tilespmem:s18+$0xFFFFFFD0];
	v3 =	vor.u32 v3, v38;
	_ =	sdelay $0x4  }
0xae: {  	[tilespmem:v3+s11+$0x0] =	vst.idx.msk vm9, v39  }
0xaf: {  	v3 =	vld [tilespmem:s17+$0xFFFFFFE0]  }
0xb0: {  	v40 =	vld [tilespmem:s17+$0xFFFFFFE1];
	_ =	sdelay $0x3  }
0xb1: {  	v41 =	vsub.s32 v3, v2  }
0xb2: {  	vm10 =	vne.s32 v3, v40;
	v3 =	vand.u32 $0x7F, v3;
	v42 =	vand.u32 $0xFFFFFF80, v41  }
0xb3: {  	v43 =	vld [tilespmem:s18+$0xFFFFFFE0];
	v3 =	vor.u32 v3, v42;
	_ =	sdelay $0x4  }
0xb4: {  	[tilespmem:v3+s11+$0x0] =	vst.idx.msk vm10, v43  }
0xb5: {  	v3 =	vld [tilespmem:s17+$0xFFFFFFF0]  }
0xb6: {  	v44 =	vld [tilespmem:s17+$0xFFFFFFF1];
	_ =	sdelay $0x3  }
0xb7: {  	v45 =	vsub.s32 v3, v2  }
0xb8: {  	vm11 =	vne.s32 v3, v44;
	v3 =	vand.u32 $0x7F, v3;
	v46 =	vand.u32 $0xFFFFFF80, v45  }
0xb9: {  	v47 =	vld [tilespmem:s18+$0xFFFFFFF0];
	v3 =	vor.u32 v3, v46;
	_ =	sdelay $0x4  }
0xba: {  	[tilespmem:v3+s11+$0x0] =	vst.idx.msk vm11, v47  }
0xbb: {  	v3 =	vld [tilespmem:s17+$0x0]  }
0xbc: {  	v48 =	vld [tilespmem:s17+$0x1];
	_ =	sdelay $0x3  }
0xbd: {  	v49 =	vsub.s32 v3, v2  }
0xbe: {  	vm12 =	vne.s32 v3, v48;
	v3 =	vand.u32 $0x7F, v3;
	v50 =	vand.u32 $0xFFFFFF80, v49  }
0xbf: {  	v51 =	vld [tilespmem:s18+$0x0];
	v3 =	vor.u32 v3, v50;
	_ =	sdelay $0x4  }
0xc0: {  	[tilespmem:v3+s11+$0x0] =	vst.idx.msk vm12, v51  }
0xc1: {  	v3 =	vld [tilespmem:s17+$0x10]  }
0xc2: {  	v52 =	vld [tilespmem:s17+$0x11];
	_ =	sdelay $0x3  }
0xc3: {  	v53 =	vsub.s32 v3, v2  }
0xc4: {  	vm13 =	vne.s32 v3, v52;
	v3 =	vand.u32 $0x7F, v3;
	v54 =	vand.u32 $0xFFFFFF80, v53  }
0xc5: {  	v55 =	vld [tilespmem:s18+$0x10];
	v3 =	vor.u32 v3, v54;
	_ =	sdelay $0x4  }
0xc6: {  	[tilespmem:v3+s11+$0x0] =	vst.idx.msk vm13, v55  }
0xc7: {  	v3 =	vld [tilespmem:s17+$0x20]  }
0xc8: {  	v56 =	vld [tilespmem:s17+$0x21];
	_ =	sdelay $0x3  }
0xc9: {  	v57 =	vsub.s32 v3, v2  }
0xca: {  	vm14 =	vne.s32 v3, v56;
	v3 =	vand.u32 $0x7F, v3;
	v58 =	vand.u32 $0xFFFFFF80, v57  }
0xcb: {  	v59 =	vld [tilespmem:s18+$0x20];
	v3 =	vor.u32 v3, v58;
	_ =	sdelay $0x4  }
0xcc: {  	[tilespmem:v3+s11+$0x0] =	vst.idx.msk vm14, v59  }
0xcd: {  	v3 =	vld [tilespmem:s17+$0x30]  }
0xce: {  	v60 =	vld [tilespmem:s17+$0x31];
	_ =	sdelay $0x3  }
0xcf: {  	v61 =	vsub.s32 v3, v2  }
0xd0: {  	s16 =	sadd.s32 $0x8, s16;
	vm15 =	vne.s32 v3, v60;
	v3 =	vand.u32 $0x7F, v3;
	v62 =	vand.u32 $0xFFFFFF80, v61  }
0xd1: {  	p0 =	slt.u32 s16, $0x308;
	v63 =	vld [tilespmem:s18+$0x30];
	v3 =	vor.u32 v3, v62  }
.Ltmp3:
0xd2: {  	_ = 	snop;
	(pc) =	sbr.rel @p0 .LBB2_9-.Ltmp3, $2  }
0xd3: {  	_ =	sdelay $0x2  }
0xd4: {  	s17 =	sadd.s32 $0x80, s17;
	s18 =	sadd.s32 $0x80, s18;
	[tilespmem:v3+s11+$0x0] =	vst.idx.msk vm15, v63  }
.Ltmp4:
0xd5: {  	(pc) =	sbr.rel @p1 .LBB2_2-.Ltmp4, $4  }
0xd6: {  	_ = 	snop  }
0xd7: {  	s15 =	sshrl.u32 s15, $0x3  }
0xd8: {  	s14 =	sadd.s32 $0x1, s14;
	s15 =	sadd.s32 s5, s15  }
0xd9: {  	[hbm4b:s15+s3] =	stream.linear.scatter [tilespmem:s11], [sflag:$0x3], $0xC400, $0x38;
	[tilespmem:$0x1EA80] =	vst v63  }
0xda: {  	s13 =	sadd.s32 $0x1, s13  }
0xdb: {  	p0 =	sne.s32 s13, s7  }
.Ltmp5:
0xdc: {  	_ = 	snop;
	(pc) =	sbr.rel @p0 .LBB2_1-.Ltmp5, $4  }
0xdd: {  	_ = 	snop  }
0xde: {  	_ =	swait.ge [sflag:s12], $0xC400  }
0xdf: {  	[sflag:s12] =	ssyncset.done $0x0  }
0xe0: {  	[sflag:s12] =	ssyncadd.s32 $0xFFFF3C00  }
0xe1: {  	_ =	sfence.sel $0x180000  }
0xe2: {  	[bflag:$0x0] =	sbarrier.arrive $0xFFFF  }
0xe3: {  	p0 =	sne.s32 s2, $0x0;
	_ =	strace $0x90000047  }
0xe4: {  	s0 =	sadd.s32 @!p0 $0x100000, s0;
	[bflag:$0x2] =	sbarrier.arrive $0xFFFF  }
0xe5: {  	[sflag:s0] =	ssyncadd.tile.s32 @!p0 $0x1;
	_ =	shalt  }
.Lfunc_end2:
_tile_overlayer_lowered:
.L_overlay_start_2:
0xe6: {  	(tag) =	ssettag $0x2  }
0xe7: {  	s0 =	rddreg [dreg:$0x0];
	s2 =	stileid.u32  }
0xe8: {  	s1 =	rddreg [dreg:$0x1];
	p0 =	sne.s32 s2, $0x0  }
0xe9: {  	s3 =	rddreg [dreg:$0x2];
	[bflag:$0x3] =	sbarrier.arrive $0xFFFF;
	s2 =	simm.s32 @!p0 $0x1C04  }
0xea: {  	[timem:s3], [sflag:s2] =	dma.local @!p0 [hbm:s0], s1  }
0xeb: {  	s0 =	simm.s32 @!p0 $0x4  }
0xec: {  	_ =	swait.ge @!p0 [sflag:s0], s1  }
0xed: {  	s1 =	ssub.s32 @!p0 $0x0, s1;
	[sflag:s0] =	ssyncset.done @!p0 $0x0  }
0xee: {  	[sflag:s0] =	ssyncadd.s32 @!p0 s1  }
0xef: {  	[bflag:$0x3] =	sbarrier.arrive $0xFFFF  }
0xf0: {  	_ =	shalt  }

</sc_bundles>
